<compile_context>
chip_gen: v7x
topology: tpu7x:2x2x1
jax: 0.10.2.dev20260603
libtpu: 0.0.44.dev20260713+nightly
codegen_flags: <defaults>
</compile_context>

<pallas_src>
import functools

import jax
import jax.numpy as jnp
from jax import lax
from jax.experimental import pallas as pl
from jax.experimental.pallas import tpu as pltpu
from jax.experimental.pallas import tpu_sc as plsc

N, M, A, E = 10000, 32, 128, 16
NM = N * M

_G = 1
_NG = N // _G

_NC, _NS = 2, 16
_NW = _NC * _NS
_BPW = _NG * M // _NW
_BC = 80
_CHUNKS = _BPW // _BC

_NB = 5


@functools.lru_cache(maxsize=1)
def _sc_gather():
    mesh = plsc.VectorSubcoreMesh(core_axis_name="c", subcore_axis_name="s")
    ngroups = _CHUNKS // _NB

    @functools.partial(
        pl.kernel,
        out_type=jax.ShapeDtypeStruct((_NG * M, A), jnp.float32),
        mesh=mesh,
        scratch_types=[
            pltpu.VMEM((_BPW,), jnp.int32),
            pltpu.VMEM((_NB, _BC, A), jnp.float32),
        ] + [pltpu.SemaphoreType.DMA] * (2 * _NB),
    )
    def gather(table_hbm, idx_hbm, out_hbm, idx_v, bufs, *sems):
        gsem, wsem = sems[:_NB], sems[_NB:]
        wid = lax.axis_index("s") * _NC + lax.axis_index("c")
        base = wid * _BPW
        pltpu.sync_copy(idx_hbm.at[pl.ds(base, _BPW)], idx_v)

        def issue_gather(off, b):
            off = pl.multiple_of(off, 8)
            pltpu.async_copy(table_hbm.at[idx_v.at[pl.ds(off, _BC)]],
                             bufs.at[b], gsem[b])

        def wait_gather(b):
            pltpu.make_async_copy(table_hbm.at[pl.ds(0, _BC)],
                                  bufs.at[b], gsem[b]).wait()

        def issue_write(off, b):
            pltpu.async_copy(bufs.at[b], out_hbm.at[pl.ds(base + off, _BC)],
                             wsem[b])

        def wait_write(b):
            pltpu.make_async_copy(bufs.at[b], out_hbm.at[pl.ds(base, _BC)],
                                  wsem[b]).wait()

        for b in range(_NB):
            issue_gather(b * _BC, b)

        def group(g, carry):
            for b in range(_NB):
                wait_gather(b)
                issue_write((g * _NB + b) * _BC, b)
            for b in range(_NB):
                wait_write(b)
                issue_gather(((g + 1) * _NB + b) * _BC, b)
            return carry

        lax.fori_loop(0, ngroups - 1, group, 0)
        g_last = ngroups - 1
        for b in range(_NB):
            wait_gather(b)
            issue_write((g_last * _NB + b) * _BC, b)
        for b in range(_NB):
            wait_write(b)

    return gather


_BLK = 400
_LN2 = 0.6931471805599453


def _softplus(x):
    return jnp.maximum(x, 0.0) + jnp.log(1.0 + jnp.exp(-jnp.abs(x)))


def _pass1_body(g_ref, a_ref, nbr_ref, ws_ref, wne_ref, b_ref,
                pre_ref, ssum_ref, ssq_ref):
    i = pl.program_id(0)
    atom = a_ref[...]
    s = jnp.dot(atom.astype(jnp.bfloat16), ws_ref[...],
                preferred_element_type=jnp.float32)
    s = s + b_ref[0:1, :]
    wne = wne_ref[...]
    nbr_bf = nbr_ref[...].astype(jnp.bfloat16)
    acc = jnp.zeros((_BLK, A), jnp.float32)
    for j in range(M):
        x = jnp.concatenate(
            [g_ref[j].astype(jnp.bfloat16), nbr_bf[:, j * E:(j + 1) * E]],
            axis=1)
        z = s + jnp.dot(x, wne, preferred_element_type=jnp.float32)
        fp = z[:, :A]
        cp = z[:, A:]
        t = jnp.maximum(cp, 0.0) + jnp.log2(1.0 + jnp.exp2(-jnp.abs(cp)))
        acc = acc + (1.0 + jnp.tanh(fp)) * t
    pre = atom + (0.5 * _LN2) * acc
    pre_ref[...] = pre

    @pl.when(i == 0)
    def _():
        ssum_ref[...] = jnp.zeros_like(ssum_ref)
        ssq_ref[...] = jnp.zeros_like(ssq_ref)

    ssum_ref[0:1, :] += jnp.sum(pre, axis=0, keepdims=True)
    ssq_ref[0:1, :] += jnp.sum(pre * pre, axis=0, keepdims=True)


def _run_pass1(gathered3, atom_g, nbr_flat_g, ws, wne, b8):
    return pl.pallas_call(
        _pass1_body,
        grid=(_NG // _BLK,),
        in_specs=[
            pl.BlockSpec((M, _BLK, A), lambda i: (0, i, 0)),
            pl.BlockSpec((_BLK, A), lambda i: (i, 0)),
            pl.BlockSpec((_BLK, M * E), lambda i: (i, 0)),
            pl.BlockSpec((A, 2 * A), lambda i: (0, 0)),
            pl.BlockSpec((A + E, 2 * A), lambda i: (0, 0)),
            pl.BlockSpec((8, 2 * A), lambda i: (0, 0)),
        ],
        out_specs=[
            pl.BlockSpec((_BLK, A), lambda i: (i, 0)),
            pl.BlockSpec((8, A), lambda i: (0, 0)),
            pl.BlockSpec((8, A), lambda i: (0, 0)),
        ],
        out_shape=[
            jax.ShapeDtypeStruct((_NG, A), jnp.float32),
            jax.ShapeDtypeStruct((8, A), jnp.float32),
            jax.ShapeDtypeStruct((8, A), jnp.float32),
        ],
    )(gathered3, atom_g, nbr_flat_g, ws, wne, b8)


_BLK2 = 1000


def _pass2_body(pre_ref, ssum_ref, ssq_ref, g_ref, bt_ref, out_ref):
    inv_n = 1.0 / N
    mean = jnp.sum(ssum_ref[...], axis=0, keepdims=True) * inv_n
    var = (jnp.sum(ssq_ref[...], axis=0, keepdims=True) * inv_n
           - mean * mean)
    rstd = lax.rsqrt(var + 1e-5)
    x = (pre_ref[...] - mean) * (rstd * g_ref[0:1, :]) + bt_ref[0:1, :]
    out_ref[...] = _softplus(x)


def kernel(atom_fea, nbr_fea, nbr_idx, W, b, gamma, beta):
    idxT = nbr_idx.T

    colscale = jnp.concatenate(
        [jnp.full((A,), 0.5, jnp.float32),
         jnp.full((A,), 1.4426950408889634, jnp.float32)])
    Ws = W * colscale[None, :]
    ws = Ws[:A].astype(jnp.bfloat16)
    wne = Ws[A:].astype(jnp.bfloat16)
    b8 = jnp.broadcast_to((b * colscale).reshape(1, 2 * A), (8, 2 * A))

    sc = _sc_gather()
    pres, ssums, ssqs = [], [], []
    for g in range(_G):
        lo = g * _NG
        idx_g = idxT[:, lo:lo + _NG].reshape(_NG * M)
        gathered = sc(atom_fea, idx_g)
        pre, ssum, ssq = _run_pass1(
            gathered.reshape(M, _NG, A),
            lax.slice_in_dim(atom_fea, lo, lo + _NG),
            lax.slice_in_dim(nbr_fea, lo, lo + _NG).reshape(_NG, M * E),
            ws, wne, b8)
        pres.append(pre)
        ssums.append(ssum)
        ssqs.append(ssq)

    pre = jnp.concatenate(pres, axis=0)
    ssum = jnp.concatenate(ssums, axis=0)
    ssq = jnp.concatenate(ssqs, axis=0)
    g8 = jnp.broadcast_to(gamma.reshape(1, A), (8, A))
    bt8 = jnp.broadcast_to(beta.reshape(1, A), (8, A))
    out = pl.pallas_call(
        _pass2_body,
        grid=(N // _BLK2,),
        in_specs=[
            pl.BlockSpec((_BLK2, A), lambda i: (i, 0)),
            pl.BlockSpec((_G * 8, A), lambda i: (0, 0)),
            pl.BlockSpec((_G * 8, A), lambda i: (0, 0)),
            pl.BlockSpec((8, A), lambda i: (0, 0)),
            pl.BlockSpec((8, A), lambda i: (0, 0)),
        ],
        out_specs=pl.BlockSpec((_BLK2, A), lambda i: (i, 0)),
        out_shape=jax.ShapeDtypeStruct((N, A), jnp.float32),
    )(pre, ssum, ssq, g8, bt8)
    return out

# --- scband reference (transcript-rebuilt; emitter-appended) ---
"""Pipeline reference for scband-cgcnnconv-89515708383412 (READ-ONLY COPY).

The authoritative reference and input builder live on the scoring server;
editing this copy changes nothing except your own understanding.
"""

import jax, jax.numpy as jnp
import numpy as np

N, M, A, E = 10000, 32, 128, 16

def setup_inputs(seed: int = 0) -> dict:
    key = jax.random.key(seed)
    ks = jax.random.split(key, 8)
    atom_fea = jax.random.normal(ks[0], (N, A), dtype=jnp.float32)
    nbr_fea = jax.random.normal(ks[1], (N, M, E), dtype=jnp.float32)
    nbr_idx = jax.random.randint(ks[2], (N, M), 0, N, dtype=jnp.int32)
    fan_in = 2 * A + E
    W = jax.random.normal(ks[3], (fan_in, 2 * A), dtype=jnp.float32) * (1.0 / np.sqrt(fan_in))
    b = jax.random.normal(ks[4], (2 * A,), dtype=jnp.float32) * 0.01
    gamma = jnp.ones((A,), dtype=jnp.float32)
    beta = jnp.zeros((A,), dtype=jnp.float32)
    return {"atom_fea": atom_fea, "nbr_fea": nbr_fea, "nbr_idx": nbr_idx,
            "W": W, "b": b, "gamma": gamma, "beta": beta}


def reference(atom_fea, nbr_fea, nbr_idx, W, b, gamma, beta):
    n, m = nbr_idx.shape
    # gather neighbor atom features: [N, M, A]
    nbr_atom_fea = jnp.take(atom_fea, nbr_idx, axis=0)
    # expand self features: [N, M, A]
    self_fea = jnp.broadcast_to(atom_fea[:, None, :], (n, m, atom_fea.shape[-1]))
    total_fea = jnp.concatenate([self_fea, nbr_atom_fea, nbr_fea], axis=2)
    total_fea = total_fea @ W + b
    filter_fea, core_fea = jnp.split(total_fea, 2, axis=2)
    nbr_msg = jax.nn.sigmoid(filter_fea) * jax.nn.softplus(core_fea)
    nbr_msg = nbr_msg.sum(axis=1)
    pre = atom_fea + nbr_msg
    # BatchNorm1d in training mode: batch statistics over the node dimension
    mean = pre.mean(axis=0)
    var = pre.var(axis=0)
    out = (pre - mean) / jnp.sqrt(var + 1e-5) * gamma + beta
    return jax.nn.softplus(out)

if __name__ == "__main__":
    import jax
    _d = setup_inputs()
    print(jax.jit(kernel)(*tuple(_d.values())))

</pallas_src>

<mosaic_0001>
#map = affine_map<(d0, d1) -> (0, 0)>
#map1 = affine_map<(d0, d1) -> (0)>
module attributes {stable_mosaic.version = 14 : i64} {
  func.func @gather(%arg0: i32, %arg1: i32, %arg2: memref<10000x128xf32, #tpu.memory_space<hbm>>, %arg3: memref<320000xi32, #tpu.memory_space<hbm>>, %arg4: memref<320000x128xf32, #tpu.memory_space<hbm>>, %arg5: memref<10000xi32, #tpu.memory_space<vmem>>, %arg6: memref<5x80x128xf32, #tpu.memory_space<vmem>>, %arg7: memref<!tpu.dma_semaphore, #tpu.memory_space<semaphore_mem>>, %arg8: memref<!tpu.dma_semaphore, #tpu.memory_space<semaphore_mem>>, %arg9: memref<!tpu.dma_semaphore, #tpu.memory_space<semaphore_mem>>, %arg10: memref<!tpu.dma_semaphore, #tpu.memory_space<semaphore_mem>>, %arg11: memref<!tpu.dma_semaphore, #tpu.memory_space<semaphore_mem>>, %arg12: memref<!tpu.dma_semaphore, #tpu.memory_space<semaphore_mem>>, %arg13: memref<!tpu.dma_semaphore, #tpu.memory_space<semaphore_mem>>, %arg14: memref<!tpu.dma_semaphore, #tpu.memory_space<semaphore_mem>>, %arg15: memref<!tpu.dma_semaphore, #tpu.memory_space<semaphore_mem>>, %arg16: memref<!tpu.dma_semaphore, #tpu.memory_space<semaphore_mem>>) attributes {dimension_semantics = [#tpu.dimension_semantics<core_parallel>, #tpu.dimension_semantics<subcore_parallel>], iteration_bounds = array<i64: 2, 16>, scalar_prefetch = 0 : i64, scratch_operands = 12 : i64, tpu.core_type = #tpu.core_type<sc_vector_subcore>, window_params = [{transform_indices = #map}, {transform_indices = #map1}, {transform_indices = #map}]} {
    %mul3A = arith.constant 2 : i32
    %mul3A_0 = arith.muli %arg1, %mul3A : i32
    %add3A = arith.addi %mul3A_0, %arg0 : i32
    %mul3A_1 = arith.constant 10000 : i32
    %mul3A_2 = arith.muli %add3A, %mul3A_1 : i32
    "tpu.region"() ({
      %run_scoped3A = tpu.sem_alloc : memref<!tpu.dma_semaphore, #tpu.memory_space<semaphore_mem>>
      %dma_start3A_275 = tpu.memref_slice %arg3[%mul3A_2] : memref<320000xi32, #tpu.memory_space<hbm>> -> memref<10000xi32, #tpu.memory_space<hbm>>
      %dma_start3A_276 = tpu.memref_slice %arg3[%mul3A_2] : memref<320000xi32, #tpu.memory_space<hbm>> -> memref<10000xi32, #tpu.memory_space<hbm>>
      tpu.enqueue_dma source(%dma_start3A_276 : memref<10000xi32, #tpu.memory_space<hbm>>) target(%arg5 : memref<10000xi32, #tpu.memory_space<vmem>>) target_semaphore(%run_scoped3A : memref<!tpu.dma_semaphore, #tpu.memory_space<semaphore_mem>>)
      %dma_wait3A_277 = tpu.memref_slice %arg3[%mul3A_2] : memref<320000xi32, #tpu.memory_space<hbm>> -> memref<10000xi32, #tpu.memory_space<hbm>>
      %dma_wait3A_278 = tpu.memref_slice %arg3[%mul3A_2] : memref<320000xi32, #tpu.memory_space<hbm>> -> memref<10000xi32, #tpu.memory_space<hbm>>
      tpu.wait_dma2 semaphore(%run_scoped3A : memref<!tpu.dma_semaphore, #tpu.memory_space<semaphore_mem>>) src(%dma_wait3A_278 : memref<10000xi32, #tpu.memory_space<hbm>>) dst(%arg5 : memref<10000xi32, #tpu.memory_space<vmem>>)
      tpu.yield
    }) : () -> ()
    %multiple_of3A = arith.constant 0 : i32
    %multiple_of3A_3 = tpu.assume_multiple %multiple_of3A, 8 : i32
    %dma_start3A = arith.constant 0 : i32
    %dma_start3A_4 = arith.constant 0 : i32
    %dma_start3A_5 = arith.constant 0 : i32
    %dma_start3A_6 = tpu.memref_slice %arg6[%dma_start3A, %dma_start3A_4, %dma_start3A_5] : memref<5x80x128xf32, #tpu.memory_space<vmem>> -> memref<1x80x128xf32, #tpu.memory_space<vmem>>
    %dma_start3A_7 = tpu.memref_squeeze %dma_start3A_6 : memref<1x80x128xf32, #tpu.memory_space<vmem>> -> memref<80x128xf32, #tpu.memory_space<vmem>>
    %dma_start3A_8 = tpu.memref_slice %arg5[%multiple_of3A_3] : memref<10000xi32, #tpu.memory_space<vmem>> -> memref<80xi32, #tpu.memory_space<vmem>>
    %dma_start3A_9 = arith.constant 0 : i32
    %dma_start3A_10 = arith.constant 0 : i32
    %dma_start3A_11 = tpu.memref_slice %arg2[%dma_start3A_9, %dma_start3A_10] : memref<10000x128xf32, #tpu.memory_space<hbm>> -> memref<10000x128xf32, #tpu.memory_space<hbm>>
    tpu.enqueue_indirect_dma source(%dma_start3A_11 : memref<10000x128xf32, #tpu.memory_space<hbm>>) target(%dma_start3A_7 : memref<80x128xf32, #tpu.memory_space<vmem>>) offsets(%dma_start3A_8 : memref<80xi32, #tpu.memory_space<vmem>>) semaphore(%arg7 : memref<!tpu.dma_semaphore, #tpu.memory_space<semaphore_mem>>)
    %multiple_of3A_12 = arith.constant 80 : i32
    %multiple_of3A_13 = tpu.assume_multiple %multiple_of3A_12, 8 : i32
    %dma_start3A_14 = arith.constant 1 : i32
    %dma_start3A_15 = arith.constant 0 : i32
    %dma_start3A_16 = arith.constant 0 : i32
    %dma_start3A_17 = tpu.memref_slice %arg6[%dma_start3A_14, %dma_start3A_15, %dma_start3A_16] : memref<5x80x128xf32, #tpu.memory_space<vmem>> -> memref<1x80x128xf32, #tpu.memory_space<vmem>>
    %dma_start3A_18 = tpu.memref_squeeze %dma_start3A_17 : memref<1x80x128xf32, #tpu.memory_space<vmem>> -> memref<80x128xf32, #tpu.memory_space<vmem>>
    %dma_start3A_19 = tpu.memref_slice %arg5[%multiple_of3A_13] : memref<10000xi32, #tpu.memory_space<vmem>> -> memref<80xi32, #tpu.memory_space<vmem>>
    %dma_start3A_20 = arith.constant 0 : i32
    %dma_start3A_21 = arith.constant 0 : i32
    %dma_start3A_22 = tpu.memref_slice %arg2[%dma_start3A_20, %dma_start3A_21] : memref<10000x128xf32, #tpu.memory_space<hbm>> -> memref<10000x128xf32, #tpu.memory_space<hbm>>
    tpu.enqueue_indirect_dma source(%dma_start3A_22 : memref<10000x128xf32, #tpu.memory_space<hbm>>) target(%dma_start3A_18 : memref<80x128xf32, #tpu.memory_space<vmem>>) offsets(%dma_start3A_19 : memref<80xi32, #tpu.memory_space<vmem>>) semaphore(%arg8 : memref<!tpu.dma_semaphore, #tpu.memory_space<semaphore_mem>>)
    %multiple_of3A_23 = arith.constant 160 : i32
    %multiple_of3A_24 = tpu.assume_multiple %multiple_of3A_23, 8 : i32
    %dma_start3A_25 = arith.constant 2 : i32
    %dma_start3A_26 = arith.constant 0 : i32
    %dma_start3A_27 = arith.constant 0 : i32
    %dma_start3A_28 = tpu.memref_slice %arg6[%dma_start3A_25, %dma_start3A_26, %dma_start3A_27] : memref<5x80x128xf32, #tpu.memory_space<vmem>> -> memref<1x80x128xf32, #tpu.memory_space<vmem>>
    %dma_start3A_29 = tpu.memref_squeeze %dma_start3A_28 : memref<1x80x128xf32, #tpu.memory_space<vmem>> -> memref<80x128xf32, #tpu.memory_space<vmem>>
    %dma_start3A_30 = tpu.memref_slice %arg5[%multiple_of3A_24] : memref<10000xi32, #tpu.memory_space<vmem>> -> memref<80xi32, #tpu.memory_space<vmem>>
    %dma_start3A_31 = arith.constant 0 : i32
    %dma_start3A_32 = arith.constant 0 : i32
    %dma_start3A_33 = tpu.memref_slice %arg2[%dma_start3A_31, %dma_start3A_32] : memref<10000x128xf32, #tpu.memory_space<hbm>> -> memref<10000x128xf32, #tpu.memory_space<hbm>>
    tpu.enqueue_indirect_dma source(%dma_start3A_33 : memref<10000x128xf32, #tpu.memory_space<hbm>>) target(%dma_start3A_29 : memref<80x128xf32, #tpu.memory_space<vmem>>) offsets(%dma_start3A_30 : memref<80xi32, #tpu.memory_space<vmem>>) semaphore(%arg9 : memref<!tpu.dma_semaphore, #tpu.memory_space<semaphore_mem>>)
    %multiple_of3A_34 = arith.constant 240 : i32
    %multiple_of3A_35 = tpu.assume_multiple %multiple_of3A_34, 8 : i32
    %dma_start3A_36 = arith.constant 3 : i32
    %dma_start3A_37 = arith.constant 0 : i32
    %dma_start3A_38 = arith.constant 0 : i32
    %dma_start3A_39 = tpu.memref_slice %arg6[%dma_start3A_36, %dma_start3A_37, %dma_start3A_38] : memref<5x80x128xf32, #tpu.memory_space<vmem>> -> memref<1x80x128xf32, #tpu.memory_space<vmem>>
    %dma_start3A_40 = tpu.memref_squeeze %dma_start3A_39 : memref<1x80x128xf32, #tpu.memory_space<vmem>> -> memref<80x128xf32, #tpu.memory_space<vmem>>
    %dma_start3A_41 = tpu.memref_slice %arg5[%multiple_of3A_35] : memref<10000xi32, #tpu.memory_space<vmem>> -> memref<80xi32, #tpu.memory_space<vmem>>
    %dma_start3A_42 = arith.constant 0 : i32
    %dma_start3A_43 = arith.constant 0 : i32
    %dma_start3A_44 = tpu.memref_slice %arg2[%dma_start3A_42, %dma_start3A_43] : memref<10000x128xf32, #tpu.memory_space<hbm>> -> memref<10000x128xf32, #tpu.memory_space<hbm>>
    tpu.enqueue_indirect_dma source(%dma_start3A_44 : memref<10000x128xf32, #tpu.memory_space<hbm>>) target(%dma_start3A_40 : memref<80x128xf32, #tpu.memory_space<vmem>>) offsets(%dma_start3A_41 : memref<80xi32, #tpu.memory_space<vmem>>) semaphore(%arg10 : memref<!tpu.dma_semaphore, #tpu.memory_space<semaphore_mem>>)
    %multiple_of3A_45 = arith.constant 320 : i32
    %multiple_of3A_46 = tpu.assume_multiple %multiple_of3A_45, 8 : i32
    %dma_start3A_47 = arith.constant 4 : i32
    %dma_start3A_48 = arith.constant 0 : i32
    %dma_start3A_49 = arith.constant 0 : i32
    %dma_start3A_50 = tpu.memref_slice %arg6[%dma_start3A_47, %dma_start3A_48, %dma_start3A_49] : memref<5x80x128xf32, #tpu.memory_space<vmem>> -> memref<1x80x128xf32, #tpu.memory_space<vmem>>
    %dma_start3A_51 = tpu.memref_squeeze %dma_start3A_50 : memref<1x80x128xf32, #tpu.memory_space<vmem>> -> memref<80x128xf32, #tpu.memory_space<vmem>>
    %dma_start3A_52 = tpu.memref_slice %arg5[%multiple_of3A_46] : memref<10000xi32, #tpu.memory_space<vmem>> -> memref<80xi32, #tpu.memory_space<vmem>>
    %dma_start3A_53 = arith.constant 0 : i32
    %dma_start3A_54 = arith.constant 0 : i32
    %dma_start3A_55 = tpu.memref_slice %arg2[%dma_start3A_53, %dma_start3A_54] : memref<10000x128xf32, #tpu.memory_space<hbm>> -> memref<10000x128xf32, #tpu.memory_space<hbm>>
    tpu.enqueue_indirect_dma source(%dma_start3A_55 : memref<10000x128xf32, #tpu.memory_space<hbm>>) target(%dma_start3A_51 : memref<80x128xf32, #tpu.memory_space<vmem>>) offsets(%dma_start3A_52 : memref<80xi32, #tpu.memory_space<vmem>>) semaphore(%arg11 : memref<!tpu.dma_semaphore, #tpu.memory_space<semaphore_mem>>)
    %scan3A = arith.constant 0 : i32
    %scan3A_56 = arith.constant 0 : i32
    %scan3A_57 = arith.constant 24 : i32
    %scan3A_58 = arith.addi %scan3A_56, %scan3A_57 : i32
    %scan3A_59 = arith.constant 1 : i32
    scf.for %scan3A_275 = %scan3A_56 to %scan3A_58 step %scan3A_59  : i32 {
      %dma_wait3A_276 = arith.constant 0 : i32
      %dma_wait3A_277 = arith.constant 0 : i32
      %dma_wait3A_278 = arith.constant 0 : i32
      %dma_wait3A_279 = tpu.memref_slice %arg6[%dma_wait3A_276, %dma_wait3A_277, %dma_wait3A_278] : memref<5x80x128xf32, #tpu.memory_space<vmem>> -> memref<1x80x128xf32, #tpu.memory_space<vmem>>
      %dma_wait3A_280 = tpu.memref_squeeze %dma_wait3A_279 : memref<1x80x128xf32, #tpu.memory_space<vmem>> -> memref<80x128xf32, #tpu.memory_space<vmem>>
      %dma_wait3A_281 = arith.constant 0 : i32
      %dma_wait3A_282 = arith.constant 0 : i32
      %dma_wait3A_283 = tpu.memref_slice %arg2[%dma_wait3A_281, %dma_wait3A_282] : memref<10000x128xf32, #tpu.memory_space<hbm>> -> memref<80x128xf32, #tpu.memory_space<hbm>>
      %dma_wait3A_284 = arith.constant 0 : i32
      %dma_wait3A_285 = arith.constant 0 : i32
      %dma_wait3A_286 = tpu.memref_slice %arg6[%dma_wait3A_276, %dma_wait3A_284, %dma_wait3A_285] : memref<5x80x128xf32, #tpu.memory_space<vmem>> -> memref<1x80x128xf32, #tpu.memory_space<vmem>>
      %dma_wait3A_287 = tpu.memref_squeeze %dma_wait3A_286 : memref<1x80x128xf32, #tpu.memory_space<vmem>> -> memref<80x128xf32, #tpu.memory_space<vmem>>
      %dma_wait3A_288 = arith.constant 0 : i32
      %dma_wait3A_289 = arith.constant 0 : i32
      %dma_wait3A_290 = tpu.memref_slice %arg2[%dma_wait3A_288, %dma_wait3A_289] : memref<10000x128xf32, #tpu.memory_space<hbm>> -> memref<80x128xf32, #tpu.memory_space<hbm>>
      tpu.wait_dma2 semaphore(%arg7 : memref<!tpu.dma_semaphore, #tpu.memory_space<semaphore_mem>>) src(%dma_wait3A_290 : memref<80x128xf32, #tpu.memory_space<hbm>>) dst(%dma_wait3A_287 : memref<80x128xf32, #tpu.memory_space<vmem>>)
      %mul3A_291 = arith.constant 5 : i32
      %mul3A_292 = arith.muli %scan3A_275, %mul3A_291 : i32
      %add3A_293 = arith.constant 0 : i32
      %add3A_294 = arith.addi %mul3A_292, %add3A_293 : i32
      %mul3A_295 = arith.constant 80 : i32
      %mul3A_296 = arith.muli %add3A_294, %mul3A_295 : i32
      %add3A_297 = arith.addi %mul3A_2, %mul3A_296 : i32
      %dma_start3A_298 = arith.constant 0 : i32
      %dma_start3A_299 = arith.constant 0 : i32
      %dma_start3A_300 = arith.constant 0 : i32
      %dma_start3A_301 = tpu.memref_slice %arg6[%dma_start3A_298, %dma_start3A_299, %dma_start3A_300] : memref<5x80x128xf32, #tpu.memory_space<vmem>> -> memref<1x80x128xf32, #tpu.memory_space<vmem>>
      %dma_start3A_302 = tpu.memref_squeeze %dma_start3A_301 : memref<1x80x128xf32, #tpu.memory_space<vmem>> -> memref<80x128xf32, #tpu.memory_space<vmem>>
      %dma_start3A_303 = arith.constant 0 : i32
      %dma_start3A_304 = tpu.memref_slice %arg4[%add3A_297, %dma_start3A_303] : memref<320000x128xf32, #tpu.memory_space<hbm>> -> memref<80x128xf32, #tpu.memory_space<hbm>>
      %dma_start3A_305 = arith.constant 0 : i32
      %dma_start3A_306 = tpu.memref_slice %arg4[%add3A_297, %dma_start3A_305] : memref<320000x128xf32, #tpu.memory_space<hbm>> -> memref<80x128xf32, #tpu.memory_space<hbm>>
      %dma_start3A_307 = arith.constant 0 : i32
      %dma_start3A_308 = arith.constant 0 : i32
      %dma_start3A_309 = tpu.memref_slice %arg6[%dma_start3A_298, %dma_start3A_307, %dma_start3A_308] : memref<5x80x128xf32, #tpu.memory_space<vmem>> -> memref<1x80x128xf32, #tpu.memory_space<vmem>>
      %dma_start3A_310 = tpu.memref_squeeze %dma_start3A_309 : memref<1x80x128xf32, #tpu.memory_space<vmem>> -> memref<80x128xf32, #tpu.memory_space<vmem>>
      tpu.enqueue_dma source(%dma_start3A_310 : memref<80x128xf32, #tpu.memory_space<vmem>>) target(%dma_start3A_306 : memref<80x128xf32, #tpu.memory_space<hbm>>) target_semaphore(%arg12 : memref<!tpu.dma_semaphore, #tpu.memory_space<semaphore_mem>>)
      %dma_wait3A_311 = arith.constant 1 : i32
      %dma_wait3A_312 = arith.constant 0 : i32
      %dma_wait3A_313 = arith.constant 0 : i32
      %dma_wait3A_314 = tpu.memref_slice %arg6[%dma_wait3A_311, %dma_wait3A_312, %dma_wait3A_313] : memref<5x80x128xf32, #tpu.memory_space<vmem>> -> memref<1x80x128xf32, #tpu.memory_space<vmem>>
      %dma_wait3A_315 = tpu.memref_squeeze %dma_wait3A_314 : memref<1x80x128xf32, #tpu.memory_space<vmem>> -> memref<80x128xf32, #tpu.memory_space<vmem>>
      %dma_wait3A_316 = arith.constant 0 : i32
      %dma_wait3A_317 = arith.constant 0 : i32
      %dma_wait3A_318 = tpu.memref_slice %arg2[%dma_wait3A_316, %dma_wait3A_317] : memref<10000x128xf32, #tpu.memory_space<hbm>> -> memref<80x128xf32, #tpu.memory_space<hbm>>
      %dma_wait3A_319 = arith.constant 0 : i32
      %dma_wait3A_320 = arith.constant 0 : i32
      %dma_wait3A_321 = tpu.memref_slice %arg6[%dma_wait3A_311, %dma_wait3A_319, %dma_wait3A_320] : memref<5x80x128xf32, #tpu.memory_space<vmem>> -> memref<1x80x128xf32, #tpu.memory_space<vmem>>
      %dma_wait3A_322 = tpu.memref_squeeze %dma_wait3A_321 : memref<1x80x128xf32, #tpu.memory_space<vmem>> -> memref<80x128xf32, #tpu.memory_space<vmem>>
      %dma_wait3A_323 = arith.constant 0 : i32
      %dma_wait3A_324 = arith.constant 0 : i32
      %dma_wait3A_325 = tpu.memref_slice %arg2[%dma_wait3A_323, %dma_wait3A_324] : memref<10000x128xf32, #tpu.memory_space<hbm>> -> memref<80x128xf32, #tpu.memory_space<hbm>>
      tpu.wait_dma2 semaphore(%arg8 : memref<!tpu.dma_semaphore, #tpu.memory_space<semaphore_mem>>) src(%dma_wait3A_325 : memref<80x128xf32, #tpu.memory_space<hbm>>) dst(%dma_wait3A_322 : memref<80x128xf32, #tpu.memory_space<vmem>>)
      %mul3A_326 = arith.constant 5 : i32
      %mul3A_327 = arith.muli %scan3A_275, %mul3A_326 : i32
      %add3A_328 = arith.constant 1 : i32
      %add3A_329 = arith.addi %mul3A_327, %add3A_328 : i32
      %mul3A_330 = arith.constant 80 : i32
      %mul3A_331 = arith.muli %add3A_329, %mul3A_330 : i32
      %add3A_332 = arith.addi %mul3A_2, %mul3A_331 : i32
      %dma_start3A_333 = arith.constant 1 : i32
      %dma_start3A_334 = arith.constant 0 : i32
      %dma_start3A_335 = arith.constant 0 : i32
      %dma_start3A_336 = tpu.memref_slice %arg6[%dma_start3A_333, %dma_start3A_334, %dma_start3A_335] : memref<5x80x128xf32, #tpu.memory_space<vmem>> -> memref<1x80x128xf32, #tpu.memory_space<vmem>>
      %dma_start3A_337 = tpu.memref_squeeze %dma_start3A_336 : memref<1x80x128xf32, #tpu.memory_space<vmem>> -> memref<80x128xf32, #tpu.memory_space<vmem>>
      %dma_start3A_338 = arith.constant 0 : i32
      %dma_start3A_339 = tpu.memref_slice %arg4[%add3A_332, %dma_start3A_338] : memref<320000x128xf32, #tpu.memory_space<hbm>> -> memref<80x128xf32, #tpu.memory_space<hbm>>
      %dma_start3A_340 = arith.constant 0 : i32
      %dma_start3A_341 = tpu.memref_slice %arg4[%add3A_332, %dma_start3A_340] : memref<320000x128xf32, #tpu.memory_space<hbm>> -> memref<80x128xf32, #tpu.memory_space<hbm>>
      %dma_start3A_342 = arith.constant 0 : i32
      %dma_start3A_343 = arith.constant 0 : i32
      %dma_start3A_344 = tpu.memref_slice %arg6[%dma_start3A_333, %dma_start3A_342, %dma_start3A_343] : memref<5x80x128xf32, #tpu.memory_space<vmem>> -> memref<1x80x128xf32, #tpu.memory_space<vmem>>
      %dma_start3A_345 = tpu.memref_squeeze %dma_start3A_344 : memref<1x80x128xf32, #tpu.memory_space<vmem>> -> memref<80x128xf32, #tpu.memory_space<vmem>>
      tpu.enqueue_dma source(%dma_start3A_345 : memref<80x128xf32, #tpu.memory_space<vmem>>) target(%dma_start3A_341 : memref<80x128xf32, #tpu.memory_space<hbm>>) target_semaphore(%arg13 : memref<!tpu.dma_semaphore, #tpu.memory_space<semaphore_mem>>)
      %dma_wait3A_346 = arith.constant 2 : i32
      %dma_wait3A_347 = arith.constant 0 : i32
      %dma_wait3A_348 = arith.constant 0 : i32
      %dma_wait3A_349 = tpu.memref_slice %arg6[%dma_wait3A_346, %dma_wait3A_347, %dma_wait3A_348] : memref<5x80x128xf32, #tpu.memory_space<vmem>> -> memref<1x80x128xf32, #tpu.memory_space<vmem>>
      %dma_wait3A_350 = tpu.memref_squeeze %dma_wait3A_349 : memref<1x80x128xf32, #tpu.memory_space<vmem>> -> memref<80x128xf32, #tpu.memory_space<vmem>>
      %dma_wait3A_351 = arith.constant 0 : i32
      %dma_wait3A_352 = arith.constant 0 : i32
      %dma_wait3A_353 = tpu.memref_slice %arg2[%dma_wait3A_351, %dma_wait3A_352] : memref<10000x128xf32, #tpu.memory_space<hbm>> -> memref<80x128xf32, #tpu.memory_space<hbm>>
      %dma_wait3A_354 = arith.constant 0 : i32
      %dma_wait3A_355 = arith.constant 0 : i32
      %dma_wait3A_356 = tpu.memref_slice %arg6[%dma_wait3A_346, %dma_wait3A_354, %dma_wait3A_355] : memref<5x80x128xf32, #tpu.memory_space<vmem>> -> memref<1x80x128xf32, #tpu.memory_space<vmem>>
      %dma_wait3A_357 = tpu.memref_squeeze %dma_wait3A_356 : memref<1x80x128xf32, #tpu.memory_space<vmem>> -> memref<80x128xf32, #tpu.memory_space<vmem>>
      %dma_wait3A_358 = arith.constant 0 : i32
      %dma_wait3A_359 = arith.constant 0 : i32
      %dma_wait3A_360 = tpu.memref_slice %arg2[%dma_wait3A_358, %dma_wait3A_359] : memref<10000x128xf32, #tpu.memory_space<hbm>> -> memref<80x128xf32, #tpu.memory_space<hbm>>
      tpu.wait_dma2 semaphore(%arg9 : memref<!tpu.dma_semaphore, #tpu.memory_space<semaphore_mem>>) src(%dma_wait3A_360 : memref<80x128xf32, #tpu.memory_space<hbm>>) dst(%dma_wait3A_357 : memref<80x128xf32, #tpu.memory_space<vmem>>)
      %mul3A_361 = arith.constant 5 : i32
      %mul3A_362 = arith.muli %scan3A_275, %mul3A_361 : i32
      %add3A_363 = arith.constant 2 : i32
      %add3A_364 = arith.addi %mul3A_362, %add3A_363 : i32
      %mul3A_365 = arith.constant 80 : i32
      %mul3A_366 = arith.muli %add3A_364, %mul3A_365 : i32
      %add3A_367 = arith.addi %mul3A_2, %mul3A_366 : i32
      %dma_start3A_368 = arith.constant 2 : i32
      %dma_start3A_369 = arith.constant 0 : i32
      %dma_start3A_370 = arith.constant 0 : i32
      %dma_start3A_371 = tpu.memref_slice %arg6[%dma_start3A_368, %dma_start3A_369, %dma_start3A_370] : memref<5x80x128xf32, #tpu.memory_space<vmem>> -> memref<1x80x128xf32, #tpu.memory_space<vmem>>
      %dma_start3A_372 = tpu.memref_squeeze %dma_start3A_371 : memref<1x80x128xf32, #tpu.memory_space<vmem>> -> memref<80x128xf32, #tpu.memory_space<vmem>>
      %dma_start3A_373 = arith.constant 0 : i32
      %dma_start3A_374 = tpu.memref_slice %arg4[%add3A_367, %dma_start3A_373] : memref<320000x128xf32, #tpu.memory_space<hbm>> -> memref<80x128xf32, #tpu.memory_space<hbm>>
      %dma_start3A_375 = arith.constant 0 : i32
      %dma_start3A_376 = tpu.memref_slice %arg4[%add3A_367, %dma_start3A_375] : memref<320000x128xf32, #tpu.memory_space<hbm>> -> memref<80x128xf32, #tpu.memory_space<hbm>>
      %dma_start3A_377 = arith.constant 0 : i32
      %dma_start3A_378 = arith.constant 0 : i32
      %dma_start3A_379 = tpu.memref_slice %arg6[%dma_start3A_368, %dma_start3A_377, %dma_start3A_378] : memref<5x80x128xf32, #tpu.memory_space<vmem>> -> memref<1x80x128xf32, #tpu.memory_space<vmem>>
      %dma_start3A_380 = tpu.memref_squeeze %dma_start3A_379 : memref<1x80x128xf32, #tpu.memory_space<vmem>> -> memref<80x128xf32, #tpu.memory_space<vmem>>
      tpu.enqueue_dma source(%dma_start3A_380 : memref<80x128xf32, #tpu.memory_space<vmem>>) target(%dma_start3A_376 : memref<80x128xf32, #tpu.memory_space<hbm>>) target_semaphore(%arg14 : memref<!tpu.dma_semaphore, #tpu.memory_space<semaphore_mem>>)
      %dma_wait3A_381 = arith.constant 3 : i32
      %dma_wait3A_382 = arith.constant 0 : i32
      %dma_wait3A_383 = arith.constant 0 : i32
      %dma_wait3A_384 = tpu.memref_slice %arg6[%dma_wait3A_381, %dma_wait3A_382, %dma_wait3A_383] : memref<5x80x128xf32, #tpu.memory_space<vmem>> -> memref<1x80x128xf32, #tpu.memory_space<vmem>>
      %dma_wait3A_385 = tpu.memref_squeeze %dma_wait3A_384 : memref<1x80x128xf32, #tpu.memory_space<vmem>> -> memref<80x128xf32, #tpu.memory_space<vmem>>
      %dma_wait3A_386 = arith.constant 0 : i32
      %dma_wait3A_387 = arith.constant 0 : i32
      %dma_wait3A_388 = tpu.memref_slice %arg2[%dma_wait3A_386, %dma_wait3A_387] : memref<10000x128xf32, #tpu.memory_space<hbm>> -> memref<80x128xf32, #tpu.memory_space<hbm>>
      %dma_wait3A_389 = arith.constant 0 : i32
      %dma_wait3A_390 = arith.constant 0 : i32
      %dma_wait3A_391 = tpu.memref_slice %arg6[%dma_wait3A_381, %dma_wait3A_389, %dma_wait3A_390] : memref<5x80x128xf32, #tpu.memory_space<vmem>> -> memref<1x80x128xf32, #tpu.memory_space<vmem>>
      %dma_wait3A_392 = tpu.memref_squeeze %dma_wait3A_391 : memref<1x80x128xf32, #tpu.memory_space<vmem>> -> memref<80x128xf32, #tpu.memory_space<vmem>>
      %dma_wait3A_393 = arith.constant 0 : i32
      %dma_wait3A_394 = arith.constant 0 : i32
      %dma_wait3A_395 = tpu.memref_slice %arg2[%dma_wait3A_393, %dma_wait3A_394] : memref<10000x128xf32, #tpu.memory_space<hbm>> -> memref<80x128xf32, #tpu.memory_space<hbm>>
      tpu.wait_dma2 semaphore(%arg10 : memref<!tpu.dma_semaphore, #tpu.memory_space<semaphore_mem>>) src(%dma_wait3A_395 : memref<80x128xf32, #tpu.memory_space<hbm>>) dst(%dma_wait3A_392 : memref<80x128xf32, #tpu.memory_space<vmem>>)
      %mul3A_396 = arith.constant 5 : i32
      %mul3A_397 = arith.muli %scan3A_275, %mul3A_396 : i32
      %add3A_398 = arith.constant 3 : i32
      %add3A_399 = arith.addi %mul3A_397, %add3A_398 : i32
      %mul3A_400 = arith.constant 80 : i32
      %mul3A_401 = arith.muli %add3A_399, %mul3A_400 : i32
      %add3A_402 = arith.addi %mul3A_2, %mul3A_401 : i32
      %dma_start3A_403 = arith.constant 3 : i32
      %dma_start3A_404 = arith.constant 0 : i32
      %dma_start3A_405 = arith.constant 0 : i32
      %dma_start3A_406 = tpu.memref_slice %arg6[%dma_start3A_403, %dma_start3A_404, %dma_start3A_405] : memref<5x80x128xf32, #tpu.memory_space<vmem>> -> memref<1x80x128xf32, #tpu.memory_space<vmem>>
      %dma_start3A_407 = tpu.memref_squeeze %dma_start3A_406 : memref<1x80x128xf32, #tpu.memory_space<vmem>> -> memref<80x128xf32, #tpu.memory_space<vmem>>
      %dma_start3A_408 = arith.constant 0 : i32
      %dma_start3A_409 = tpu.memref_slice %arg4[%add3A_402, %dma_start3A_408] : memref<320000x128xf32, #tpu.memory_space<hbm>> -> memref<80x128xf32, #tpu.memory_space<hbm>>
      %dma_start3A_410 = arith.constant 0 : i32
      %dma_start3A_411 = tpu.memref_slice %arg4[%add3A_402, %dma_start3A_410] : memref<320000x128xf32, #tpu.memory_space<hbm>> -> memref<80x128xf32, #tpu.memory_space<hbm>>
      %dma_start3A_412 = arith.constant 0 : i32
      %dma_start3A_413 = arith.constant 0 : i32
      %dma_start3A_414 = tpu.memref_slice %arg6[%dma_start3A_403, %dma_start3A_412, %dma_start3A_413] : memref<5x80x128xf32, #tpu.memory_space<vmem>> -> memref<1x80x128xf32, #tpu.memory_space<vmem>>
      %dma_start3A_415 = tpu.memref_squeeze %dma_start3A_414 : memref<1x80x128xf32, #tpu.memory_space<vmem>> -> memref<80x128xf32, #tpu.memory_space<vmem>>
      tpu.enqueue_dma source(%dma_start3A_415 : memref<80x128xf32, #tpu.memory_space<vmem>>) target(%dma_start3A_411 : memref<80x128xf32, #tpu.memory_space<hbm>>) target_semaphore(%arg15 : memref<!tpu.dma_semaphore, #tpu.memory_space<semaphore_mem>>)
      %dma_wait3A_416 = arith.constant 4 : i32
      %dma_wait3A_417 = arith.constant 0 : i32
      %dma_wait3A_418 = arith.constant 0 : i32
      %dma_wait3A_419 = tpu.memref_slice %arg6[%dma_wait3A_416, %dma_wait3A_417, %dma_wait3A_418] : memref<5x80x128xf32, #tpu.memory_space<vmem>> -> memref<1x80x128xf32, #tpu.memory_space<vmem>>
      %dma_wait3A_420 = tpu.memref_squeeze %dma_wait3A_419 : memref<1x80x128xf32, #tpu.memory_space<vmem>> -> memref<80x128xf32, #tpu.memory_space<vmem>>
      %dma_wait3A_421 = arith.constant 0 : i32
      %dma_wait3A_422 = arith.constant 0 : i32
      %dma_wait3A_423 = tpu.memref_slice %arg2[%dma_wait3A_421, %dma_wait3A_422] : memref<10000x128xf32, #tpu.memory_space<hbm>> -> memref<80x128xf32, #tpu.memory_space<hbm>>
      %dma_wait3A_424 = arith.constant 0 : i32
      %dma_wait3A_425 = arith.constant 0 : i32
      %dma_wait3A_426 = tpu.memref_slice %arg6[%dma_wait3A_416, %dma_wait3A_424, %dma_wait3A_425] : memref<5x80x128xf32, #tpu.memory_space<vmem>> -> memref<1x80x128xf32, #tpu.memory_space<vmem>>
      %dma_wait3A_427 = tpu.memref_squeeze %dma_wait3A_426 : memref<1x80x128xf32, #tpu.memory_space<vmem>> -> memref<80x128xf32, #tpu.memory_space<vmem>>
      %dma_wait3A_428 = arith.constant 0 : i32
      %dma_wait3A_429 = arith.constant 0 : i32
      %dma_wait3A_430 = tpu.memref_slice %arg2[%dma_wait3A_428, %dma_wait3A_429] : memref<10000x128xf32, #tpu.memory_space<hbm>> -> memref<80x128xf32, #tpu.memory_space<hbm>>
      tpu.wait_dma2 semaphore(%arg11 : memref<!tpu.dma_semaphore, #tpu.memory_space<semaphore_mem>>) src(%dma_wait3A_430 : memref<80x128xf32, #tpu.memory_space<hbm>>) dst(%dma_wait3A_427 : memref<80x128xf32, #tpu.memory_space<vmem>>)
      %mul3A_431 = arith.constant 5 : i32
      %mul3A_432 = arith.muli %scan3A_275, %mul3A_431 : i32
      %add3A_433 = arith.constant 4 : i32
      %add3A_434 = arith.addi %mul3A_432, %add3A_433 : i32
      %mul3A_435 = arith.constant 80 : i32
      %mul3A_436 = arith.muli %add3A_434, %mul3A_435 : i32
      %add3A_437 = arith.addi %mul3A_2, %mul3A_436 : i32
      %dma_start3A_438 = arith.constant 4 : i32
      %dma_start3A_439 = arith.constant 0 : i32
      %dma_start3A_440 = arith.constant 0 : i32
      %dma_start3A_441 = tpu.memref_slice %arg6[%dma_start3A_438, %dma_start3A_439, %dma_start3A_440] : memref<5x80x128xf32, #tpu.memory_space<vmem>> -> memref<1x80x128xf32, #tpu.memory_space<vmem>>
      %dma_start3A_442 = tpu.memref_squeeze %dma_start3A_441 : memref<1x80x128xf32, #tpu.memory_space<vmem>> -> memref<80x128xf32, #tpu.memory_space<vmem>>
      %dma_start3A_443 = arith.constant 0 : i32
      %dma_start3A_444 = tpu.memref_slice %arg4[%add3A_437, %dma_start3A_443] : memref<320000x128xf32, #tpu.memory_space<hbm>> -> memref<80x128xf32, #tpu.memory_space<hbm>>
      %dma_start3A_445 = arith.constant 0 : i32
      %dma_start3A_446 = tpu.memref_slice %arg4[%add3A_437, %dma_start3A_445] : memref<320000x128xf32, #tpu.memory_space<hbm>> -> memref<80x128xf32, #tpu.memory_space<hbm>>
      %dma_start3A_447 = arith.constant 0 : i32
      %dma_start3A_448 = arith.constant 0 : i32
      %dma_start3A_449 = tpu.memref_slice %arg6[%dma_start3A_438, %dma_start3A_447, %dma_start3A_448] : memref<5x80x128xf32, #tpu.memory_space<vmem>> -> memref<1x80x128xf32, #tpu.memory_space<vmem>>
      %dma_start3A_450 = tpu.memref_squeeze %dma_start3A_449 : memref<1x80x128xf32, #tpu.memory_space<vmem>> -> memref<80x128xf32, #tpu.memory_space<vmem>>
      tpu.enqueue_dma source(%dma_start3A_450 : memref<80x128xf32, #tpu.memory_space<vmem>>) target(%dma_start3A_446 : memref<80x128xf32, #tpu.memory_space<hbm>>) target_semaphore(%arg16 : memref<!tpu.dma_semaphore, #tpu.memory_space<semaphore_mem>>)
      %dma_wait3A_451 = arith.constant 0 : i32
      %dma_wait3A_452 = arith.constant 0 : i32
      %dma_wait3A_453 = arith.constant 0 : i32
      %dma_wait3A_454 = tpu.memref_slice %arg6[%dma_wait3A_451, %dma_wait3A_452, %dma_wait3A_453] : memref<5x80x128xf32, #tpu.memory_space<vmem>> -> memref<1x80x128xf32, #tpu.memory_space<vmem>>
      %dma_wait3A_455 = tpu.memref_squeeze %dma_wait3A_454 : memref<1x80x128xf32, #tpu.memory_space<vmem>> -> memref<80x128xf32, #tpu.memory_space<vmem>>
      %dma_wait3A_456 = arith.constant 0 : i32
      %dma_wait3A_457 = tpu.memref_slice %arg4[%mul3A_2, %dma_wait3A_456] : memref<320000x128xf32, #tpu.memory_space<hbm>> -> memref<80x128xf32, #tpu.memory_space<hbm>>
      %dma_wait3A_458 = arith.constant 0 : i32
      %dma_wait3A_459 = tpu.memref_slice %arg4[%mul3A_2, %dma_wait3A_458] : memref<320000x128xf32, #tpu.memory_space<hbm>> -> memref<80x128xf32, #tpu.memory_space<hbm>>
      %dma_wait3A_460 = arith.constant 0 : i32
      %dma_wait3A_461 = arith.constant 0 : i32
      %dma_wait3A_462 = tpu.memref_slice %arg6[%dma_wait3A_451, %dma_wait3A_460, %dma_wait3A_461] : memref<5x80x128xf32, #tpu.memory_space<vmem>> -> memref<1x80x128xf32, #tpu.memory_space<vmem>>
      %dma_wait3A_463 = tpu.memref_squeeze %dma_wait3A_462 : memref<1x80x128xf32, #tpu.memory_space<vmem>> -> memref<80x128xf32, #tpu.memory_space<vmem>>
      tpu.wait_dma2 semaphore(%arg12 : memref<!tpu.dma_semaphore, #tpu.memory_space<semaphore_mem>>) src(%dma_wait3A_463 : memref<80x128xf32, #tpu.memory_space<vmem>>) dst(%dma_wait3A_459 : memref<80x128xf32, #tpu.memory_space<hbm>>)
      %add3A_464 = arith.constant 1 : i32
      %add3A_465 = arith.addi %scan3A_275, %add3A_464 : i32
      %mul3A_466 = arith.constant 5 : i32
      %mul3A_467 = arith.muli %add3A_465, %mul3A_466 : i32
      %add3A_468 = arith.constant 0 : i32
      %add3A_469 = arith.addi %mul3A_467, %add3A_468 : i32
      %mul3A_470 = arith.constant 80 : i32
      %mul3A_471 = arith.muli %add3A_469, %mul3A_470 : i32
      %multiple_of3A_472 = tpu.assume_multiple %mul3A_471, 8 : i32
      %dma_start3A_473 = arith.constant 0 : i32
      %dma_start3A_474 = arith.constant 0 : i32
      %dma_start3A_475 = arith.constant 0 : i32
      %dma_start3A_476 = tpu.memref_slice %arg6[%dma_start3A_473, %dma_start3A_474, %dma_start3A_475] : memref<5x80x128xf32, #tpu.memory_space<vmem>> -> memref<1x80x128xf32, #tpu.memory_space<vmem>>
      %dma_start3A_477 = tpu.memref_squeeze %dma_start3A_476 : memref<1x80x128xf32, #tpu.memory_space<vmem>> -> memref<80x128xf32, #tpu.memory_space<vmem>>
      %dma_start3A_478 = tpu.memref_slice %arg5[%multiple_of3A_472] : memref<10000xi32, #tpu.memory_space<vmem>> -> memref<80xi32, #tpu.memory_space<vmem>>
      %dma_start3A_479 = arith.constant 0 : i32
      %dma_start3A_480 = arith.constant 0 : i32
      %dma_start3A_481 = tpu.memref_slice %arg2[%dma_start3A_479, %dma_start3A_480] : memref<10000x128xf32, #tpu.memory_space<hbm>> -> memref<10000x128xf32, #tpu.memory_space<hbm>>
      tpu.enqueue_indirect_dma source(%dma_start3A_481 : memref<10000x128xf32, #tpu.memory_space<hbm>>) target(%dma_start3A_477 : memref<80x128xf32, #tpu.memory_space<vmem>>) offsets(%dma_start3A_478 : memref<80xi32, #tpu.memory_space<vmem>>) semaphore(%arg7 : memref<!tpu.dma_semaphore, #tpu.memory_space<semaphore_mem>>)
      %dma_wait3A_482 = arith.constant 1 : i32
      %dma_wait3A_483 = arith.constant 0 : i32
      %dma_wait3A_484 = arith.constant 0 : i32
      %dma_wait3A_485 = tpu.memref_slice %arg6[%dma_wait3A_482, %dma_wait3A_483, %dma_wait3A_484] : memref<5x80x128xf32, #tpu.memory_space<vmem>> -> memref<1x80x128xf32, #tpu.memory_space<vmem>>
      %dma_wait3A_486 = tpu.memref_squeeze %dma_wait3A_485 : memref<1x80x128xf32, #tpu.memory_space<vmem>> -> memref<80x128xf32, #tpu.memory_space<vmem>>
      %dma_wait3A_487 = arith.constant 0 : i32
      %dma_wait3A_488 = tpu.memref_slice %arg4[%mul3A_2, %dma_wait3A_487] : memref<320000x128xf32, #tpu.memory_space<hbm>> -> memref<80x128xf32, #tpu.memory_space<hbm>>
      %dma_wait3A_489 = arith.constant 0 : i32
      %dma_wait3A_490 = tpu.memref_slice %arg4[%mul3A_2, %dma_wait3A_489] : memref<320000x128xf32, #tpu.memory_space<hbm>> -> memref<80x128xf32, #tpu.memory_space<hbm>>
      %dma_wait3A_491 = arith.constant 0 : i32
      %dma_wait3A_492 = arith.constant 0 : i32
      %dma_wait3A_493 = tpu.memref_slice %arg6[%dma_wait3A_482, %dma_wait3A_491, %dma_wait3A_492] : memref<5x80x128xf32, #tpu.memory_space<vmem>> -> memref<1x80x128xf32, #tpu.memory_space<vmem>>
      %dma_wait3A_494 = tpu.memref_squeeze %dma_wait3A_493 : memref<1x80x128xf32, #tpu.memory_space<vmem>> -> memref<80x128xf32, #tpu.memory_space<vmem>>
      tpu.wait_dma2 semaphore(%arg13 : memref<!tpu.dma_semaphore, #tpu.memory_space<semaphore_mem>>) src(%dma_wait3A_494 : memref<80x128xf32, #tpu.memory_space<vmem>>) dst(%dma_wait3A_490 : memref<80x128xf32, #tpu.memory_space<hbm>>)
      %add3A_495 = arith.constant 1 : i32
      %add3A_496 = arith.addi %scan3A_275, %add3A_495 : i32
      %mul3A_497 = arith.constant 5 : i32
      %mul3A_498 = arith.muli %add3A_496, %mul3A_497 : i32
      %add3A_499 = arith.constant 1 : i32
      %add3A_500 = arith.addi %mul3A_498, %add3A_499 : i32
      %mul3A_501 = arith.constant 80 : i32
      %mul3A_502 = arith.muli %add3A_500, %mul3A_501 : i32
      %multiple_of3A_503 = tpu.assume_multiple %mul3A_502, 8 : i32
      %dma_start3A_504 = arith.constant 1 : i32
      %dma_start3A_505 = arith.constant 0 : i32
      %dma_start3A_506 = arith.constant 0 : i32
      %dma_start3A_507 = tpu.memref_slice %arg6[%dma_start3A_504, %dma_start3A_505, %dma_start3A_506] : memref<5x80x128xf32, #tpu.memory_space<vmem>> -> memref<1x80x128xf32, #tpu.memory_space<vmem>>
      %dma_start3A_508 = tpu.memref_squeeze %dma_start3A_507 : memref<1x80x128xf32, #tpu.memory_space<vmem>> -> memref<80x128xf32, #tpu.memory_space<vmem>>
      %dma_start3A_509 = tpu.memref_slice %arg5[%multiple_of3A_503] : memref<10000xi32, #tpu.memory_space<vmem>> -> memref<80xi32, #tpu.memory_space<vmem>>
      %dma_start3A_510 = arith.constant 0 : i32
      %dma_start3A_511 = arith.constant 0 : i32
      %dma_start3A_512 = tpu.memref_slice %arg2[%dma_start3A_510, %dma_start3A_511] : memref<10000x128xf32, #tpu.memory_space<hbm>> -> memref<10000x128xf32, #tpu.memory_space<hbm>>
      tpu.enqueue_indirect_dma source(%dma_start3A_512 : memref<10000x128xf32, #tpu.memory_space<hbm>>) target(%dma_start3A_508 : memref<80x128xf32, #tpu.memory_space<vmem>>) offsets(%dma_start3A_509 : memref<80xi32, #tpu.memory_space<vmem>>) semaphore(%arg8 : memref<!tpu.dma_semaphore, #tpu.memory_space<semaphore_mem>>)
      %dma_wait3A_513 = arith.constant 2 : i32
      %dma_wait3A_514 = arith.constant 0 : i32
      %dma_wait3A_515 = arith.constant 0 : i32
      %dma_wait3A_516 = tpu.memref_slice %arg6[%dma_wait3A_513, %dma_wait3A_514, %dma_wait3A_515] : memref<5x80x128xf32, #tpu.memory_space<vmem>> -> memref<1x80x128xf32, #tpu.memory_space<vmem>>
      %dma_wait3A_517 = tpu.memref_squeeze %dma_wait3A_516 : memref<1x80x128xf32, #tpu.memory_space<vmem>> -> memref<80x128xf32, #tpu.memory_space<vmem>>
      %dma_wait3A_518 = arith.constant 0 : i32
      %dma_wait3A_519 = tpu.memref_slice %arg4[%mul3A_2, %dma_wait3A_518] : memref<320000x128xf32, #tpu.memory_space<hbm>> -> memref<80x128xf32, #tpu.memory_space<hbm>>
      %dma_wait3A_520 = arith.constant 0 : i32
      %dma_wait3A_521 = tpu.memref_slice %arg4[%mul3A_2, %dma_wait3A_520] : memref<320000x128xf32, #tpu.memory_space<hbm>> -> memref<80x128xf32, #tpu.memory_space<hbm>>
      %dma_wait3A_522 = arith.constant 0 : i32
      %dma_wait3A_523 = arith.constant 0 : i32
      %dma_wait3A_524 = tpu.memref_slice %arg6[%dma_wait3A_513, %dma_wait3A_522, %dma_wait3A_523] : memref<5x80x128xf32, #tpu.memory_space<vmem>> -> memref<1x80x128xf32, #tpu.memory_space<vmem>>
      %dma_wait3A_525 = tpu.memref_squeeze %dma_wait3A_524 : memref<1x80x128xf32, #tpu.memory_space<vmem>> -> memref<80x128xf32, #tpu.memory_space<vmem>>
      tpu.wait_dma2 semaphore(%arg14 : memref<!tpu.dma_semaphore, #tpu.memory_space<semaphore_mem>>) src(%dma_wait3A_525 : memref<80x128xf32, #tpu.memory_space<vmem>>) dst(%dma_wait3A_521 : memref<80x128xf32, #tpu.memory_space<hbm>>)
      %add3A_526 = arith.constant 1 : i32
      %add3A_527 = arith.addi %scan3A_275, %add3A_526 : i32
      %mul3A_528 = arith.constant 5 : i32
      %mul3A_529 = arith.muli %add3A_527, %mul3A_528 : i32
      %add3A_530 = arith.constant 2 : i32
      %add3A_531 = arith.addi %mul3A_529, %add3A_530 : i32
      %mul3A_532 = arith.constant 80 : i32
      %mul3A_533 = arith.muli %add3A_531, %mul3A_532 : i32
      %multiple_of3A_534 = tpu.assume_multiple %mul3A_533, 8 : i32
      %dma_start3A_535 = arith.constant 2 : i32
      %dma_start3A_536 = arith.constant 0 : i32
      %dma_start3A_537 = arith.constant 0 : i32
      %dma_start3A_538 = tpu.memref_slice %arg6[%dma_start3A_535, %dma_start3A_536, %dma_start3A_537] : memref<5x80x128xf32, #tpu.memory_space<vmem>> -> memref<1x80x128xf32, #tpu.memory_space<vmem>>
      %dma_start3A_539 = tpu.memref_squeeze %dma_start3A_538 : memref<1x80x128xf32, #tpu.memory_space<vmem>> -> memref<80x128xf32, #tpu.memory_space<vmem>>
      %dma_start3A_540 = tpu.memref_slice %arg5[%multiple_of3A_534] : memref<10000xi32, #tpu.memory_space<vmem>> -> memref<80xi32, #tpu.memory_space<vmem>>
      %dma_start3A_541 = arith.constant 0 : i32
      %dma_start3A_542 = arith.constant 0 : i32
      %dma_start3A_543 = tpu.memref_slice %arg2[%dma_start3A_541, %dma_start3A_542] : memref<10000x128xf32, #tpu.memory_space<hbm>> -> memref<10000x128xf32, #tpu.memory_space<hbm>>
      tpu.enqueue_indirect_dma source(%dma_start3A_543 : memref<10000x128xf32, #tpu.memory_space<hbm>>) target(%dma_start3A_539 : memref<80x128xf32, #tpu.memory_space<vmem>>) offsets(%dma_start3A_540 : memref<80xi32, #tpu.memory_space<vmem>>) semaphore(%arg9 : memref<!tpu.dma_semaphore, #tpu.memory_space<semaphore_mem>>)
      %dma_wait3A_544 = arith.constant 3 : i32
      %dma_wait3A_545 = arith.constant 0 : i32
      %dma_wait3A_546 = arith.constant 0 : i32
      %dma_wait3A_547 = tpu.memref_slice %arg6[%dma_wait3A_544, %dma_wait3A_545, %dma_wait3A_546] : memref<5x80x128xf32, #tpu.memory_space<vmem>> -> memref<1x80x128xf32, #tpu.memory_space<vmem>>
      %dma_wait3A_548 = tpu.memref_squeeze %dma_wait3A_547 : memref<1x80x128xf32, #tpu.memory_space<vmem>> -> memref<80x128xf32, #tpu.memory_space<vmem>>
      %dma_wait3A_549 = arith.constant 0 : i32
      %dma_wait3A_550 = tpu.memref_slice %arg4[%mul3A_2, %dma_wait3A_549] : memref<320000x128xf32, #tpu.memory_space<hbm>> -> memref<80x128xf32, #tpu.memory_space<hbm>>
      %dma_wait3A_551 = arith.constant 0 : i32
      %dma_wait3A_552 = tpu.memref_slice %arg4[%mul3A_2, %dma_wait3A_551] : memref<320000x128xf32, #tpu.memory_space<hbm>> -> memref<80x128xf32, #tpu.memory_space<hbm>>
      %dma_wait3A_553 = arith.constant 0 : i32
      %dma_wait3A_554 = arith.constant 0 : i32
      %dma_wait3A_555 = tpu.memref_slice %arg6[%dma_wait3A_544, %dma_wait3A_553, %dma_wait3A_554] : memref<5x80x128xf32, #tpu.memory_space<vmem>> -> memref<1x80x128xf32, #tpu.memory_space<vmem>>
      %dma_wait3A_556 = tpu.memref_squeeze %dma_wait3A_555 : memref<1x80x128xf32, #tpu.memory_space<vmem>> -> memref<80x128xf32, #tpu.memory_space<vmem>>
      tpu.wait_dma2 semaphore(%arg15 : memref<!tpu.dma_semaphore, #tpu.memory_space<semaphore_mem>>) src(%dma_wait3A_556 : memref<80x128xf32, #tpu.memory_space<vmem>>) dst(%dma_wait3A_552 : memref<80x128xf32, #tpu.memory_space<hbm>>)
      %add3A_557 = arith.constant 1 : i32
      %add3A_558 = arith.addi %scan3A_275, %add3A_557 : i32
      %mul3A_559 = arith.constant 5 : i32
      %mul3A_560 = arith.muli %add3A_558, %mul3A_559 : i32
      %add3A_561 = arith.constant 3 : i32
      %add3A_562 = arith.addi %mul3A_560, %add3A_561 : i32
      %mul3A_563 = arith.constant 80 : i32
      %mul3A_564 = arith.muli %add3A_562, %mul3A_563 : i32
      %multiple_of3A_565 = tpu.assume_multiple %mul3A_564, 8 : i32
      %dma_start3A_566 = arith.constant 3 : i32
      %dma_start3A_567 = arith.constant 0 : i32
      %dma_start3A_568 = arith.constant 0 : i32
      %dma_start3A_569 = tpu.memref_slice %arg6[%dma_start3A_566, %dma_start3A_567, %dma_start3A_568] : memref<5x80x128xf32, #tpu.memory_space<vmem>> -> memref<1x80x128xf32, #tpu.memory_space<vmem>>
      %dma_start3A_570 = tpu.memref_squeeze %dma_start3A_569 : memref<1x80x128xf32, #tpu.memory_space<vmem>> -> memref<80x128xf32, #tpu.memory_space<vmem>>
      %dma_start3A_571 = tpu.memref_slice %arg5[%multiple_of3A_565] : memref<10000xi32, #tpu.memory_space<vmem>> -> memref<80xi32, #tpu.memory_space<vmem>>
      %dma_start3A_572 = arith.constant 0 : i32
      %dma_start3A_573 = arith.constant 0 : i32
      %dma_start3A_574 = tpu.memref_slice %arg2[%dma_start3A_572, %dma_start3A_573] : memref<10000x128xf32, #tpu.memory_space<hbm>> -> memref<10000x128xf32, #tpu.memory_space<hbm>>
      tpu.enqueue_indirect_dma source(%dma_start3A_574 : memref<10000x128xf32, #tpu.memory_space<hbm>>) target(%dma_start3A_570 : memref<80x128xf32, #tpu.memory_space<vmem>>) offsets(%dma_start3A_571 : memref<80xi32, #tpu.memory_space<vmem>>) semaphore(%arg10 : memref<!tpu.dma_semaphore, #tpu.memory_space<semaphore_mem>>)
      %dma_wait3A_575 = arith.constant 4 : i32
      %dma_wait3A_576 = arith.constant 0 : i32
      %dma_wait3A_577 = arith.constant 0 : i32
      %dma_wait3A_578 = tpu.memref_slice %arg6[%dma_wait3A_575, %dma_wait3A_576, %dma_wait3A_577] : memref<5x80x128xf32, #tpu.memory_space<vmem>> -> memref<1x80x128xf32, #tpu.memory_space<vmem>>
      %dma_wait3A_579 = tpu.memref_squeeze %dma_wait3A_578 : memref<1x80x128xf32, #tpu.memory_space<vmem>> -> memref<80x128xf32, #tpu.memory_space<vmem>>
      %dma_wait3A_580 = arith.constant 0 : i32
      %dma_wait3A_581 = tpu.memref_slice %arg4[%mul3A_2, %dma_wait3A_580] : memref<320000x128xf32, #tpu.memory_space<hbm>> -> memref<80x128xf32, #tpu.memory_space<hbm>>
      %dma_wait3A_582 = arith.constant 0 : i32
      %dma_wait3A_583 = tpu.memref_slice %arg4[%mul3A_2, %dma_wait3A_582] : memref<320000x128xf32, #tpu.memory_space<hbm>> -> memref<80x128xf32, #tpu.memory_space<hbm>>
      %dma_wait3A_584 = arith.constant 0 : i32
      %dma_wait3A_585 = arith.constant 0 : i32
      %dma_wait3A_586 = tpu.memref_slice %arg6[%dma_wait3A_575, %dma_wait3A_584, %dma_wait3A_585] : memref<5x80x128xf32, #tpu.memory_space<vmem>> -> memref<1x80x128xf32, #tpu.memory_space<vmem>>
      %dma_wait3A_587 = tpu.memref_squeeze %dma_wait3A_586 : memref<1x80x128xf32, #tpu.memory_space<vmem>> -> memref<80x128xf32, #tpu.memory_space<vmem>>
      tpu.wait_dma2 semaphore(%arg16 : memref<!tpu.dma_semaphore, #tpu.memory_space<semaphore_mem>>) src(%dma_wait3A_587 : memref<80x128xf32, #tpu.memory_space<vmem>>) dst(%dma_wait3A_583 : memref<80x128xf32, #tpu.memory_space<hbm>>)
      %add3A_588 = arith.constant 1 : i32
      %add3A_589 = arith.addi %scan3A_275, %add3A_588 : i32
      %mul3A_590 = arith.constant 5 : i32
      %mul3A_591 = arith.muli %add3A_589, %mul3A_590 : i32
      %add3A_592 = arith.constant 4 : i32
      %add3A_593 = arith.addi %mul3A_591, %add3A_592 : i32
      %mul3A_594 = arith.constant 80 : i32
      %mul3A_595 = arith.muli %add3A_593, %mul3A_594 : i32
      %multiple_of3A_596 = tpu.assume_multiple %mul3A_595, 8 : i32
      %dma_start3A_597 = arith.constant 4 : i32
      %dma_start3A_598 = arith.constant 0 : i32
      %dma_start3A_599 = arith.constant 0 : i32
      %dma_start3A_600 = tpu.memref_slice %arg6[%dma_start3A_597, %dma_start3A_598, %dma_start3A_599] : memref<5x80x128xf32, #tpu.memory_space<vmem>> -> memref<1x80x128xf32, #tpu.memory_space<vmem>>
      %dma_start3A_601 = tpu.memref_squeeze %dma_start3A_600 : memref<1x80x128xf32, #tpu.memory_space<vmem>> -> memref<80x128xf32, #tpu.memory_space<vmem>>
      %dma_start3A_602 = tpu.memref_slice %arg5[%multiple_of3A_596] : memref<10000xi32, #tpu.memory_space<vmem>> -> memref<80xi32, #tpu.memory_space<vmem>>
      %dma_start3A_603 = arith.constant 0 : i32
      %dma_start3A_604 = arith.constant 0 : i32
      %dma_start3A_605 = tpu.memref_slice %arg2[%dma_start3A_603, %dma_start3A_604] : memref<10000x128xf32, #tpu.memory_space<hbm>> -> memref<10000x128xf32, #tpu.memory_space<hbm>>
      tpu.enqueue_indirect_dma source(%dma_start3A_605 : memref<10000x128xf32, #tpu.memory_space<hbm>>) target(%dma_start3A_601 : memref<80x128xf32, #tpu.memory_space<vmem>>) offsets(%dma_start3A_602 : memref<80xi32, #tpu.memory_space<vmem>>) semaphore(%arg11 : memref<!tpu.dma_semaphore, #tpu.memory_space<semaphore_mem>>)
    }
    %scan3A_60 = arith.constant 24 : i32
    %dma_wait3A = arith.constant 0 : i32
    %dma_wait3A_61 = arith.constant 0 : i32
    %dma_wait3A_62 = arith.constant 0 : i32
    %dma_wait3A_63 = tpu.memref_slice %arg6[%dma_wait3A, %dma_wait3A_61, %dma_wait3A_62] : memref<5x80x128xf32, #tpu.memory_space<vmem>> -> memref<1x80x128xf32, #tpu.memory_space<vmem>>
    %dma_wait3A_64 = tpu.memref_squeeze %dma_wait3A_63 : memref<1x80x128xf32, #tpu.memory_space<vmem>> -> memref<80x128xf32, #tpu.memory_space<vmem>>
    %dma_wait3A_65 = arith.constant 0 : i32
    %dma_wait3A_66 = arith.constant 0 : i32
    %dma_wait3A_67 = tpu.memref_slice %arg2[%dma_wait3A_65, %dma_wait3A_66] : memref<10000x128xf32, #tpu.memory_space<hbm>> -> memref<80x128xf32, #tpu.memory_space<hbm>>
    %dma_wait3A_68 = arith.constant 0 : i32
    %dma_wait3A_69 = arith.constant 0 : i32
    %dma_wait3A_70 = tpu.memref_slice %arg6[%dma_wait3A, %dma_wait3A_68, %dma_wait3A_69] : memref<5x80x128xf32, #tpu.memory_space<vmem>> -> memref<1x80x128xf32, #tpu.memory_space<vmem>>
    %dma_wait3A_71 = tpu.memref_squeeze %dma_wait3A_70 : memref<1x80x128xf32, #tpu.memory_space<vmem>> -> memref<80x128xf32, #tpu.memory_space<vmem>>
    %dma_wait3A_72 = arith.constant 0 : i32
    %dma_wait3A_73 = arith.constant 0 : i32
    %dma_wait3A_74 = tpu.memref_slice %arg2[%dma_wait3A_72, %dma_wait3A_73] : memref<10000x128xf32, #tpu.memory_space<hbm>> -> memref<80x128xf32, #tpu.memory_space<hbm>>
    tpu.wait_dma2 semaphore(%arg7 : memref<!tpu.dma_semaphore, #tpu.memory_space<semaphore_mem>>) src(%dma_wait3A_74 : memref<80x128xf32, #tpu.memory_space<hbm>>) dst(%dma_wait3A_71 : memref<80x128xf32, #tpu.memory_space<vmem>>)
    %add3A_75 = arith.constant 9600 : i32
    %add3A_76 = arith.addi %mul3A_2, %add3A_75 : i32
    %dma_start3A_77 = arith.constant 0 : i32
    %dma_start3A_78 = arith.constant 0 : i32
    %dma_start3A_79 = arith.constant 0 : i32
    %dma_start3A_80 = tpu.memref_slice %arg6[%dma_start3A_77, %dma_start3A_78, %dma_start3A_79] : memref<5x80x128xf32, #tpu.memory_space<vmem>> -> memref<1x80x128xf32, #tpu.memory_space<vmem>>
    %dma_start3A_81 = tpu.memref_squeeze %dma_start3A_80 : memref<1x80x128xf32, #tpu.memory_space<vmem>> -> memref<80x128xf32, #tpu.memory_space<vmem>>
    %dma_start3A_82 = arith.constant 0 : i32
    %dma_start3A_83 = tpu.memref_slice %arg4[%add3A_76, %dma_start3A_82] : memref<320000x128xf32, #tpu.memory_space<hbm>> -> memref<80x128xf32, #tpu.memory_space<hbm>>
    %dma_start3A_84 = arith.constant 0 : i32
    %dma_start3A_85 = tpu.memref_slice %arg4[%add3A_76, %dma_start3A_84] : memref<320000x128xf32, #tpu.memory_space<hbm>> -> memref<80x128xf32, #tpu.memory_space<hbm>>
    %dma_start3A_86 = arith.constant 0 : i32
    %dma_start3A_87 = arith.constant 0 : i32
    %dma_start3A_88 = tpu.memref_slice %arg6[%dma_start3A_77, %dma_start3A_86, %dma_start3A_87] : memref<5x80x128xf32, #tpu.memory_space<vmem>> -> memref<1x80x128xf32, #tpu.memory_space<vmem>>
    %dma_start3A_89 = tpu.memref_squeeze %dma_start3A_88 : memref<1x80x128xf32, #tpu.memory_space<vmem>> -> memref<80x128xf32, #tpu.memory_space<vmem>>
    tpu.enqueue_dma source(%dma_start3A_89 : memref<80x128xf32, #tpu.memory_space<vmem>>) target(%dma_start3A_85 : memref<80x128xf32, #tpu.memory_space<hbm>>) target_semaphore(%arg12 : memref<!tpu.dma_semaphore, #tpu.memory_space<semaphore_mem>>)
    %dma_wait3A_90 = arith.constant 1 : i32
    %dma_wait3A_91 = arith.constant 0 : i32
    %dma_wait3A_92 = arith.constant 0 : i32
    %dma_wait3A_93 = tpu.memref_slice %arg6[%dma_wait3A_90, %dma_wait3A_91, %dma_wait3A_92] : memref<5x80x128xf32, #tpu.memory_space<vmem>> -> memref<1x80x128xf32, #tpu.memory_space<vmem>>
    %dma_wait3A_94 = tpu.memref_squeeze %dma_wait3A_93 : memref<1x80x128xf32, #tpu.memory_space<vmem>> -> memref<80x128xf32, #tpu.memory_space<vmem>>
    %dma_wait3A_95 = arith.constant 0 : i32
    %dma_wait3A_96 = arith.constant 0 : i32
    %dma_wait3A_97 = tpu.memref_slice %arg2[%dma_wait3A_95, %dma_wait3A_96] : memref<10000x128xf32, #tpu.memory_space<hbm>> -> memref<80x128xf32, #tpu.memory_space<hbm>>
    %dma_wait3A_98 = arith.constant 0 : i32
    %dma_wait3A_99 = arith.constant 0 : i32
    %dma_wait3A_100 = tpu.memref_slice %arg6[%dma_wait3A_90, %dma_wait3A_98, %dma_wait3A_99] : memref<5x80x128xf32, #tpu.memory_space<vmem>> -> memref<1x80x128xf32, #tpu.memory_space<vmem>>
    %dma_wait3A_101 = tpu.memref_squeeze %dma_wait3A_100 : memref<1x80x128xf32, #tpu.memory_space<vmem>> -> memref<80x128xf32, #tpu.memory_space<vmem>>
    %dma_wait3A_102 = arith.constant 0 : i32
    %dma_wait3A_103 = arith.constant 0 : i32
    %dma_wait3A_104 = tpu.memref_slice %arg2[%dma_wait3A_102, %dma_wait3A_103] : memref<10000x128xf32, #tpu.memory_space<hbm>> -> memref<80x128xf32, #tpu.memory_space<hbm>>
    tpu.wait_dma2 semaphore(%arg8 : memref<!tpu.dma_semaphore, #tpu.memory_space<semaphore_mem>>) src(%dma_wait3A_104 : memref<80x128xf32, #tpu.memory_space<hbm>>) dst(%dma_wait3A_101 : memref<80x128xf32, #tpu.memory_space<vmem>>)
    %add3A_105 = arith.constant 9680 : i32
    %add3A_106 = arith.addi %mul3A_2, %add3A_105 : i32
    %dma_start3A_107 = arith.constant 1 : i32
    %dma_start3A_108 = arith.constant 0 : i32
    %dma_start3A_109 = arith.constant 0 : i32
    %dma_start3A_110 = tpu.memref_slice %arg6[%dma_start3A_107, %dma_start3A_108, %dma_start3A_109] : memref<5x80x128xf32, #tpu.memory_space<vmem>> -> memref<1x80x128xf32, #tpu.memory_space<vmem>>
    %dma_start3A_111 = tpu.memref_squeeze %dma_start3A_110 : memref<1x80x128xf32, #tpu.memory_space<vmem>> -> memref<80x128xf32, #tpu.memory_space<vmem>>
    %dma_start3A_112 = arith.constant 0 : i32
    %dma_start3A_113 = tpu.memref_slice %arg4[%add3A_106, %dma_start3A_112] : memref<320000x128xf32, #tpu.memory_space<hbm>> -> memref<80x128xf32, #tpu.memory_space<hbm>>
    %dma_start3A_114 = arith.constant 0 : i32
    %dma_start3A_115 = tpu.memref_slice %arg4[%add3A_106, %dma_start3A_114] : memref<320000x128xf32, #tpu.memory_space<hbm>> -> memref<80x128xf32, #tpu.memory_space<hbm>>
    %dma_start3A_116 = arith.constant 0 : i32
    %dma_start3A_117 = arith.constant 0 : i32
    %dma_start3A_118 = tpu.memref_slice %arg6[%dma_start3A_107, %dma_start3A_116, %dma_start3A_117] : memref<5x80x128xf32, #tpu.memory_space<vmem>> -> memref<1x80x128xf32, #tpu.memory_space<vmem>>
    %dma_start3A_119 = tpu.memref_squeeze %dma_start3A_118 : memref<1x80x128xf32, #tpu.memory_space<vmem>> -> memref<80x128xf32, #tpu.memory_space<vmem>>
    tpu.enqueue_dma source(%dma_start3A_119 : memref<80x128xf32, #tpu.memory_space<vmem>>) target(%dma_start3A_115 : memref<80x128xf32, #tpu.memory_space<hbm>>) target_semaphore(%arg13 : memref<!tpu.dma_semaphore, #tpu.memory_space<semaphore_mem>>)
    %dma_wait3A_120 = arith.constant 2 : i32
    %dma_wait3A_121 = arith.constant 0 : i32
    %dma_wait3A_122 = arith.constant 0 : i32
    %dma_wait3A_123 = tpu.memref_slice %arg6[%dma_wait3A_120, %dma_wait3A_121, %dma_wait3A_122] : memref<5x80x128xf32, #tpu.memory_space<vmem>> -> memref<1x80x128xf32, #tpu.memory_space<vmem>>
    %dma_wait3A_124 = tpu.memref_squeeze %dma_wait3A_123 : memref<1x80x128xf32, #tpu.memory_space<vmem>> -> memref<80x128xf32, #tpu.memory_space<vmem>>
    %dma_wait3A_125 = arith.constant 0 : i32
    %dma_wait3A_126 = arith.constant 0 : i32
    %dma_wait3A_127 = tpu.memref_slice %arg2[%dma_wait3A_125, %dma_wait3A_126] : memref<10000x128xf32, #tpu.memory_space<hbm>> -> memref<80x128xf32, #tpu.memory_space<hbm>>
    %dma_wait3A_128 = arith.constant 0 : i32
    %dma_wait3A_129 = arith.constant 0 : i32
    %dma_wait3A_130 = tpu.memref_slice %arg6[%dma_wait3A_120, %dma_wait3A_128, %dma_wait3A_129] : memref<5x80x128xf32, #tpu.memory_space<vmem>> -> memref<1x80x128xf32, #tpu.memory_space<vmem>>
    %dma_wait3A_131 = tpu.memref_squeeze %dma_wait3A_130 : memref<1x80x128xf32, #tpu.memory_space<vmem>> -> memref<80x128xf32, #tpu.memory_space<vmem>>
    %dma_wait3A_132 = arith.constant 0 : i32
    %dma_wait3A_133 = arith.constant 0 : i32
    %dma_wait3A_134 = tpu.memref_slice %arg2[%dma_wait3A_132, %dma_wait3A_133] : memref<10000x128xf32, #tpu.memory_space<hbm>> -> memref<80x128xf32, #tpu.memory_space<hbm>>
    tpu.wait_dma2 semaphore(%arg9 : memref<!tpu.dma_semaphore, #tpu.memory_space<semaphore_mem>>) src(%dma_wait3A_134 : memref<80x128xf32, #tpu.memory_space<hbm>>) dst(%dma_wait3A_131 : memref<80x128xf32, #tpu.memory_space<vmem>>)
    %add3A_135 = arith.constant 9760 : i32
    %add3A_136 = arith.addi %mul3A_2, %add3A_135 : i32
    %dma_start3A_137 = arith.constant 2 : i32
    %dma_start3A_138 = arith.constant 0 : i32
    %dma_start3A_139 = arith.constant 0 : i32
    %dma_start3A_140 = tpu.memref_slice %arg6[%dma_start3A_137, %dma_start3A_138, %dma_start3A_139] : memref<5x80x128xf32, #tpu.memory_space<vmem>> -> memref<1x80x128xf32, #tpu.memory_space<vmem>>
    %dma_start3A_141 = tpu.memref_squeeze %dma_start3A_140 : memref<1x80x128xf32, #tpu.memory_space<vmem>> -> memref<80x128xf32, #tpu.memory_space<vmem>>
    %dma_start3A_142 = arith.constant 0 : i32
    %dma_start3A_143 = tpu.memref_slice %arg4[%add3A_136, %dma_start3A_142] : memref<320000x128xf32, #tpu.memory_space<hbm>> -> memref<80x128xf32, #tpu.memory_space<hbm>>
    %dma_start3A_144 = arith.constant 0 : i32
    %dma_start3A_145 = tpu.memref_slice %arg4[%add3A_136, %dma_start3A_144] : memref<320000x128xf32, #tpu.memory_space<hbm>> -> memref<80x128xf32, #tpu.memory_space<hbm>>
    %dma_start3A_146 = arith.constant 0 : i32
    %dma_start3A_147 = arith.constant 0 : i32
    %dma_start3A_148 = tpu.memref_slice %arg6[%dma_start3A_137, %dma_start3A_146, %dma_start3A_147] : memref<5x80x128xf32, #tpu.memory_space<vmem>> -> memref<1x80x128xf32, #tpu.memory_space<vmem>>
    %dma_start3A_149 = tpu.memref_squeeze %dma_start3A_148 : memref<1x80x128xf32, #tpu.memory_space<vmem>> -> memref<80x128xf32, #tpu.memory_space<vmem>>
    tpu.enqueue_dma source(%dma_start3A_149 : memref<80x128xf32, #tpu.memory_space<vmem>>) target(%dma_start3A_145 : memref<80x128xf32, #tpu.memory_space<hbm>>) target_semaphore(%arg14 : memref<!tpu.dma_semaphore, #tpu.memory_space<semaphore_mem>>)
    %dma_wait3A_150 = arith.constant 3 : i32
    %dma_wait3A_151 = arith.constant 0 : i32
    %dma_wait3A_152 = arith.constant 0 : i32
    %dma_wait3A_153 = tpu.memref_slice %arg6[%dma_wait3A_150, %dma_wait3A_151, %dma_wait3A_152] : memref<5x80x128xf32, #tpu.memory_space<vmem>> -> memref<1x80x128xf32, #tpu.memory_space<vmem>>
    %dma_wait3A_154 = tpu.memref_squeeze %dma_wait3A_153 : memref<1x80x128xf32, #tpu.memory_space<vmem>> -> memref<80x128xf32, #tpu.memory_space<vmem>>
    %dma_wait3A_155 = arith.constant 0 : i32
    %dma_wait3A_156 = arith.constant 0 : i32
    %dma_wait3A_157 = tpu.memref_slice %arg2[%dma_wait3A_155, %dma_wait3A_156] : memref<10000x128xf32, #tpu.memory_space<hbm>> -> memref<80x128xf32, #tpu.memory_space<hbm>>
    %dma_wait3A_158 = arith.constant 0 : i32
    %dma_wait3A_159 = arith.constant 0 : i32
    %dma_wait3A_160 = tpu.memref_slice %arg6[%dma_wait3A_150, %dma_wait3A_158, %dma_wait3A_159] : memref<5x80x128xf32, #tpu.memory_space<vmem>> -> memref<1x80x128xf32, #tpu.memory_space<vmem>>
    %dma_wait3A_161 = tpu.memref_squeeze %dma_wait3A_160 : memref<1x80x128xf32, #tpu.memory_space<vmem>> -> memref<80x128xf32, #tpu.memory_space<vmem>>
    %dma_wait3A_162 = arith.constant 0 : i32
    %dma_wait3A_163 = arith.constant 0 : i32
    %dma_wait3A_164 = tpu.memref_slice %arg2[%dma_wait3A_162, %dma_wait3A_163] : memref<10000x128xf32, #tpu.memory_space<hbm>> -> memref<80x128xf32, #tpu.memory_space<hbm>>
    tpu.wait_dma2 semaphore(%arg10 : memref<!tpu.dma_semaphore, #tpu.memory_space<semaphore_mem>>) src(%dma_wait3A_164 : memref<80x128xf32, #tpu.memory_space<hbm>>) dst(%dma_wait3A_161 : memref<80x128xf32, #tpu.memory_space<vmem>>)
    %add3A_165 = arith.constant 9840 : i32
    %add3A_166 = arith.addi %mul3A_2, %add3A_165 : i32
    %dma_start3A_167 = arith.constant 3 : i32
    %dma_start3A_168 = arith.constant 0 : i32
    %dma_start3A_169 = arith.constant 0 : i32
    %dma_start3A_170 = tpu.memref_slice %arg6[%dma_start3A_167, %dma_start3A_168, %dma_start3A_169] : memref<5x80x128xf32, #tpu.memory_space<vmem>> -> memref<1x80x128xf32, #tpu.memory_space<vmem>>
    %dma_start3A_171 = tpu.memref_squeeze %dma_start3A_170 : memref<1x80x128xf32, #tpu.memory_space<vmem>> -> memref<80x128xf32, #tpu.memory_space<vmem>>
    %dma_start3A_172 = arith.constant 0 : i32
    %dma_start3A_173 = tpu.memref_slice %arg4[%add3A_166, %dma_start3A_172] : memref<320000x128xf32, #tpu.memory_space<hbm>> -> memref<80x128xf32, #tpu.memory_space<hbm>>
    %dma_start3A_174 = arith.constant 0 : i32
    %dma_start3A_175 = tpu.memref_slice %arg4[%add3A_166, %dma_start3A_174] : memref<320000x128xf32, #tpu.memory_space<hbm>> -> memref<80x128xf32, #tpu.memory_space<hbm>>
    %dma_start3A_176 = arith.constant 0 : i32
    %dma_start3A_177 = arith.constant 0 : i32
    %dma_start3A_178 = tpu.memref_slice %arg6[%dma_start3A_167, %dma_start3A_176, %dma_start3A_177] : memref<5x80x128xf32, #tpu.memory_space<vmem>> -> memref<1x80x128xf32, #tpu.memory_space<vmem>>
    %dma_start3A_179 = tpu.memref_squeeze %dma_start3A_178 : memref<1x80x128xf32, #tpu.memory_space<vmem>> -> memref<80x128xf32, #tpu.memory_space<vmem>>
    tpu.enqueue_dma source(%dma_start3A_179 : memref<80x128xf32, #tpu.memory_space<vmem>>) target(%dma_start3A_175 : memref<80x128xf32, #tpu.memory_space<hbm>>) target_semaphore(%arg15 : memref<!tpu.dma_semaphore, #tpu.memory_space<semaphore_mem>>)
    %dma_wait3A_180 = arith.constant 4 : i32
    %dma_wait3A_181 = arith.constant 0 : i32
    %dma_wait3A_182 = arith.constant 0 : i32
    %dma_wait3A_183 = tpu.memref_slice %arg6[%dma_wait3A_180, %dma_wait3A_181, %dma_wait3A_182] : memref<5x80x128xf32, #tpu.memory_space<vmem>> -> memref<1x80x128xf32, #tpu.memory_space<vmem>>
    %dma_wait3A_184 = tpu.memref_squeeze %dma_wait3A_183 : memref<1x80x128xf32, #tpu.memory_space<vmem>> -> memref<80x128xf32, #tpu.memory_space<vmem>>
    %dma_wait3A_185 = arith.constant 0 : i32
    %dma_wait3A_186 = arith.constant 0 : i32
    %dma_wait3A_187 = tpu.memref_slice %arg2[%dma_wait3A_185, %dma_wait3A_186] : memref<10000x128xf32, #tpu.memory_space<hbm>> -> memref<80x128xf32, #tpu.memory_space<hbm>>
    %dma_wait3A_188 = arith.constant 0 : i32
    %dma_wait3A_189 = arith.constant 0 : i32
    %dma_wait3A_190 = tpu.memref_slice %arg6[%dma_wait3A_180, %dma_wait3A_188, %dma_wait3A_189] : memref<5x80x128xf32, #tpu.memory_space<vmem>> -> memref<1x80x128xf32, #tpu.memory_space<vmem>>
    %dma_wait3A_191 = tpu.memref_squeeze %dma_wait3A_190 : memref<1x80x128xf32, #tpu.memory_space<vmem>> -> memref<80x128xf32, #tpu.memory_space<vmem>>
    %dma_wait3A_192 = arith.constant 0 : i32
    %dma_wait3A_193 = arith.constant 0 : i32
    %dma_wait3A_194 = tpu.memref_slice %arg2[%dma_wait3A_192, %dma_wait3A_193] : memref<10000x128xf32, #tpu.memory_space<hbm>> -> memref<80x128xf32, #tpu.memory_space<hbm>>
    tpu.wait_dma2 semaphore(%arg11 : memref<!tpu.dma_semaphore, #tpu.memory_space<semaphore_mem>>) src(%dma_wait3A_194 : memref<80x128xf32, #tpu.memory_space<hbm>>) dst(%dma_wait3A_191 : memref<80x128xf32, #tpu.memory_space<vmem>>)
    %add3A_195 = arith.constant 9920 : i32
    %add3A_196 = arith.addi %mul3A_2, %add3A_195 : i32
    %dma_start3A_197 = arith.constant 4 : i32
    %dma_start3A_198 = arith.constant 0 : i32
    %dma_start3A_199 = arith.constant 0 : i32
    %dma_start3A_200 = tpu.memref_slice %arg6[%dma_start3A_197, %dma_start3A_198, %dma_start3A_199] : memref<5x80x128xf32, #tpu.memory_space<vmem>> -> memref<1x80x128xf32, #tpu.memory_space<vmem>>
    %dma_start3A_201 = tpu.memref_squeeze %dma_start3A_200 : memref<1x80x128xf32, #tpu.memory_space<vmem>> -> memref<80x128xf32, #tpu.memory_space<vmem>>
    %dma_start3A_202 = arith.constant 0 : i32
    %dma_start3A_203 = tpu.memref_slice %arg4[%add3A_196, %dma_start3A_202] : memref<320000x128xf32, #tpu.memory_space<hbm>> -> memref<80x128xf32, #tpu.memory_space<hbm>>
    %dma_start3A_204 = arith.constant 0 : i32
    %dma_start3A_205 = tpu.memref_slice %arg4[%add3A_196, %dma_start3A_204] : memref<320000x128xf32, #tpu.memory_space<hbm>> -> memref<80x128xf32, #tpu.memory_space<hbm>>
    %dma_start3A_206 = arith.constant 0 : i32
    %dma_start3A_207 = arith.constant 0 : i32
    %dma_start3A_208 = tpu.memref_slice %arg6[%dma_start3A_197, %dma_start3A_206, %dma_start3A_207] : memref<5x80x128xf32, #tpu.memory_space<vmem>> -> memref<1x80x128xf32, #tpu.memory_space<vmem>>
    %dma_start3A_209 = tpu.memref_squeeze %dma_start3A_208 : memref<1x80x128xf32, #tpu.memory_space<vmem>> -> memref<80x128xf32, #tpu.memory_space<vmem>>
    tpu.enqueue_dma source(%dma_start3A_209 : memref<80x128xf32, #tpu.memory_space<vmem>>) target(%dma_start3A_205 : memref<80x128xf32, #tpu.memory_space<hbm>>) target_semaphore(%arg16 : memref<!tpu.dma_semaphore, #tpu.memory_space<semaphore_mem>>)
    %dma_wait3A_210 = arith.constant 0 : i32
    %dma_wait3A_211 = arith.constant 0 : i32
    %dma_wait3A_212 = arith.constant 0 : i32
    %dma_wait3A_213 = tpu.memref_slice %arg6[%dma_wait3A_210, %dma_wait3A_211, %dma_wait3A_212] : memref<5x80x128xf32, #tpu.memory_space<vmem>> -> memref<1x80x128xf32, #tpu.memory_space<vmem>>
    %dma_wait3A_214 = tpu.memref_squeeze %dma_wait3A_213 : memref<1x80x128xf32, #tpu.memory_space<vmem>> -> memref<80x128xf32, #tpu.memory_space<vmem>>
    %dma_wait3A_215 = arith.constant 0 : i32
    %dma_wait3A_216 = tpu.memref_slice %arg4[%mul3A_2, %dma_wait3A_215] : memref<320000x128xf32, #tpu.memory_space<hbm>> -> memref<80x128xf32, #tpu.memory_space<hbm>>
    %dma_wait3A_217 = arith.constant 0 : i32
    %dma_wait3A_218 = tpu.memref_slice %arg4[%mul3A_2, %dma_wait3A_217] : memref<320000x128xf32, #tpu.memory_space<hbm>> -> memref<80x128xf32, #tpu.memory_space<hbm>>
    %dma_wait3A_219 = arith.constant 0 : i32
    %dma_wait3A_220 = arith.constant 0 : i32
    %dma_wait3A_221 = tpu.memref_slice %arg6[%dma_wait3A_210, %dma_wait3A_219, %dma_wait3A_220] : memref<5x80x128xf32, #tpu.memory_space<vmem>> -> memref<1x80x128xf32, #tpu.memory_space<vmem>>
    %dma_wait3A_222 = tpu.memref_squeeze %dma_wait3A_221 : memref<1x80x128xf32, #tpu.memory_space<vmem>> -> memref<80x128xf32, #tpu.memory_space<vmem>>
    tpu.wait_dma2 semaphore(%arg12 : memref<!tpu.dma_semaphore, #tpu.memory_space<semaphore_mem>>) src(%dma_wait3A_222 : memref<80x128xf32, #tpu.memory_space<vmem>>) dst(%dma_wait3A_218 : memref<80x128xf32, #tpu.memory_space<hbm>>)
    %dma_wait3A_223 = arith.constant 1 : i32
    %dma_wait3A_224 = arith.constant 0 : i32
    %dma_wait3A_225 = arith.constant 0 : i32
    %dma_wait3A_226 = tpu.memref_slice %arg6[%dma_wait3A_223, %dma_wait3A_224, %dma_wait3A_225] : memref<5x80x128xf32, #tpu.memory_space<vmem>> -> memref<1x80x128xf32, #tpu.memory_space<vmem>>
    %dma_wait3A_227 = tpu.memref_squeeze %dma_wait3A_226 : memref<1x80x128xf32, #tpu.memory_space<vmem>> -> memref<80x128xf32, #tpu.memory_space<vmem>>
    %dma_wait3A_228 = arith.constant 0 : i32
    %dma_wait3A_229 = tpu.memref_slice %arg4[%mul3A_2, %dma_wait3A_228] : memref<320000x128xf32, #tpu.memory_space<hbm>> -> memref<80x128xf32, #tpu.memory_space<hbm>>
    %dma_wait3A_230 = arith.constant 0 : i32
    %dma_wait3A_231 = tpu.memref_slice %arg4[%mul3A_2, %dma_wait3A_230] : memref<320000x128xf32, #tpu.memory_space<hbm>> -> memref<80x128xf32, #tpu.memory_space<hbm>>
    %dma_wait3A_232 = arith.constant 0 : i32
    %dma_wait3A_233 = arith.constant 0 : i32
    %dma_wait3A_234 = tpu.memref_slice %arg6[%dma_wait3A_223, %dma_wait3A_232, %dma_wait3A_233] : memref<5x80x128xf32, #tpu.memory_space<vmem>> -> memref<1x80x128xf32, #tpu.memory_space<vmem>>
    %dma_wait3A_235 = tpu.memref_squeeze %dma_wait3A_234 : memref<1x80x128xf32, #tpu.memory_space<vmem>> -> memref<80x128xf32, #tpu.memory_space<vmem>>
    tpu.wait_dma2 semaphore(%arg13 : memref<!tpu.dma_semaphore, #tpu.memory_space<semaphore_mem>>) src(%dma_wait3A_235 : memref<80x128xf32, #tpu.memory_space<vmem>>) dst(%dma_wait3A_231 : memref<80x128xf32, #tpu.memory_space<hbm>>)
    %dma_wait3A_236 = arith.constant 2 : i32
    %dma_wait3A_237 = arith.constant 0 : i32
    %dma_wait3A_238 = arith.constant 0 : i32
    %dma_wait3A_239 = tpu.memref_slice %arg6[%dma_wait3A_236, %dma_wait3A_237, %dma_wait3A_238] : memref<5x80x128xf32, #tpu.memory_space<vmem>> -> memref<1x80x128xf32, #tpu.memory_space<vmem>>
    %dma_wait3A_240 = tpu.memref_squeeze %dma_wait3A_239 : memref<1x80x128xf32, #tpu.memory_space<vmem>> -> memref<80x128xf32, #tpu.memory_space<vmem>>
    %dma_wait3A_241 = arith.constant 0 : i32
    %dma_wait3A_242 = tpu.memref_slice %arg4[%mul3A_2, %dma_wait3A_241] : memref<320000x128xf32, #tpu.memory_space<hbm>> -> memref<80x128xf32, #tpu.memory_space<hbm>>
    %dma_wait3A_243 = arith.constant 0 : i32
    %dma_wait3A_244 = tpu.memref_slice %arg4[%mul3A_2, %dma_wait3A_243] : memref<320000x128xf32, #tpu.memory_space<hbm>> -> memref<80x128xf32, #tpu.memory_space<hbm>>
    %dma_wait3A_245 = arith.constant 0 : i32
    %dma_wait3A_246 = arith.constant 0 : i32
    %dma_wait3A_247 = tpu.memref_slice %arg6[%dma_wait3A_236, %dma_wait3A_245, %dma_wait3A_246] : memref<5x80x128xf32, #tpu.memory_space<vmem>> -> memref<1x80x128xf32, #tpu.memory_space<vmem>>
    %dma_wait3A_248 = tpu.memref_squeeze %dma_wait3A_247 : memref<1x80x128xf32, #tpu.memory_space<vmem>> -> memref<80x128xf32, #tpu.memory_space<vmem>>
    tpu.wait_dma2 semaphore(%arg14 : memref<!tpu.dma_semaphore, #tpu.memory_space<semaphore_mem>>) src(%dma_wait3A_248 : memref<80x128xf32, #tpu.memory_space<vmem>>) dst(%dma_wait3A_244 : memref<80x128xf32, #tpu.memory_space<hbm>>)
    %dma_wait3A_249 = arith.constant 3 : i32
    %dma_wait3A_250 = arith.constant 0 : i32
    %dma_wait3A_251 = arith.constant 0 : i32
    %dma_wait3A_252 = tpu.memref_slice %arg6[%dma_wait3A_249, %dma_wait3A_250, %dma_wait3A_251] : memref<5x80x128xf32, #tpu.memory_space<vmem>> -> memref<1x80x128xf32, #tpu.memory_space<vmem>>
    %dma_wait3A_253 = tpu.memref_squeeze %dma_wait3A_252 : memref<1x80x128xf32, #tpu.memory_space<vmem>> -> memref<80x128xf32, #tpu.memory_space<vmem>>
    %dma_wait3A_254 = arith.constant 0 : i32
    %dma_wait3A_255 = tpu.memref_slice %arg4[%mul3A_2, %dma_wait3A_254] : memref<320000x128xf32, #tpu.memory_space<hbm>> -> memref<80x128xf32, #tpu.memory_space<hbm>>
    %dma_wait3A_256 = arith.constant 0 : i32
    %dma_wait3A_257 = tpu.memref_slice %arg4[%mul3A_2, %dma_wait3A_256] : memref<320000x128xf32, #tpu.memory_space<hbm>> -> memref<80x128xf32, #tpu.memory_space<hbm>>
    %dma_wait3A_258 = arith.constant 0 : i32
    %dma_wait3A_259 = arith.constant 0 : i32
    %dma_wait3A_260 = tpu.memref_slice %arg6[%dma_wait3A_249, %dma_wait3A_258, %dma_wait3A_259] : memref<5x80x128xf32, #tpu.memory_space<vmem>> -> memref<1x80x128xf32, #tpu.memory_space<vmem>>
    %dma_wait3A_261 = tpu.memref_squeeze %dma_wait3A_260 : memref<1x80x128xf32, #tpu.memory_space<vmem>> -> memref<80x128xf32, #tpu.memory_space<vmem>>
    tpu.wait_dma2 semaphore(%arg15 : memref<!tpu.dma_semaphore, #tpu.memory_space<semaphore_mem>>) src(%dma_wait3A_261 : memref<80x128xf32, #tpu.memory_space<vmem>>) dst(%dma_wait3A_257 : memref<80x128xf32, #tpu.memory_space<hbm>>)
    %dma_wait3A_262 = arith.constant 4 : i32
    %dma_wait3A_263 = arith.constant 0 : i32
    %dma_wait3A_264 = arith.constant 0 : i32
    %dma_wait3A_265 = tpu.memref_slice %arg6[%dma_wait3A_262, %dma_wait3A_263, %dma_wait3A_264] : memref<5x80x128xf32, #tpu.memory_space<vmem>> -> memref<1x80x128xf32, #tpu.memory_space<vmem>>
    %dma_wait3A_266 = tpu.memref_squeeze %dma_wait3A_265 : memref<1x80x128xf32, #tpu.memory_space<vmem>> -> memref<80x128xf32, #tpu.memory_space<vmem>>
    %dma_wait3A_267 = arith.constant 0 : i32
    %dma_wait3A_268 = tpu.memref_slice %arg4[%mul3A_2, %dma_wait3A_267] : memref<320000x128xf32, #tpu.memory_space<hbm>> -> memref<80x128xf32, #tpu.memory_space<hbm>>
    %dma_wait3A_269 = arith.constant 0 : i32
    %dma_wait3A_270 = tpu.memref_slice %arg4[%mul3A_2, %dma_wait3A_269] : memref<320000x128xf32, #tpu.memory_space<hbm>> -> memref<80x128xf32, #tpu.memory_space<hbm>>
    %dma_wait3A_271 = arith.constant 0 : i32
    %dma_wait3A_272 = arith.constant 0 : i32
    %dma_wait3A_273 = tpu.memref_slice %arg6[%dma_wait3A_262, %dma_wait3A_271, %dma_wait3A_272] : memref<5x80x128xf32, #tpu.memory_space<vmem>> -> memref<1x80x128xf32, #tpu.memory_space<vmem>>
    %dma_wait3A_274 = tpu.memref_squeeze %dma_wait3A_273 : memref<1x80x128xf32, #tpu.memory_space<vmem>> -> memref<80x128xf32, #tpu.memory_space<vmem>>
    tpu.wait_dma2 semaphore(%arg16 : memref<!tpu.dma_semaphore, #tpu.memory_space<semaphore_mem>>) src(%dma_wait3A_274 : memref<80x128xf32, #tpu.memory_space<vmem>>) dst(%dma_wait3A_270 : memref<80x128xf32, #tpu.memory_space<hbm>>)
    return
  }
}

module attributes {stable_mosaic.version = 14 : i64} {
  func.func @_pass1_body(%arg0: i32, %arg1: memref<32x400x128xf32, #tpu.memory_space<vmem>>, %arg2: memref<400x128xf32, #tpu.memory_space<vmem>>, %arg3: memref<400x512xf32, #tpu.memory_space<vmem>>, %arg4: memref<128x256xbf16, #tpu.memory_space<vmem>>, %arg5: memref<144x256xbf16, #tpu.memory_space<vmem>>, %arg6: memref<8x256xf32, #tpu.memory_space<vmem>>, %arg7: memref<400x128xf32, #tpu.memory_space<vmem>>, %arg8: memref<8x128xf32, #tpu.memory_space<vmem>>, %arg9: memref<8x128xf32, #tpu.memory_space<vmem>>) attributes {dimension_semantics = [#tpu.dimension_semantics<arbitrary>], iteration_bounds = array<i64: 25>, scalar_prefetch = 0 : i64, scratch_operands = 0 : i64, tpu.core_type = #tpu.core_type<tc>, window_params = [{transform_indices = @transform_0, window_bounds = array<i64: 32, 400, 128>}, {transform_indices = @transform_1, window_bounds = array<i64: 400, 128>}, {transform_indices = @transform_2, window_bounds = array<i64: 400, 512>}, {pipeline_mode = #tpu.pipeline_mode<synchronous>, transform_indices = @transform_3, window_bounds = array<i64: 128, 256>}, {pipeline_mode = #tpu.pipeline_mode<synchronous>, transform_indices = @transform_4, window_bounds = array<i64: 144, 256>}, {pipeline_mode = #tpu.pipeline_mode<synchronous>, transform_indices = @transform_5, window_bounds = array<i64: 8, 256>}, {transform_indices = @transform_6, window_bounds = array<i64: 400, 128>}, {pipeline_mode = #tpu.pipeline_mode<synchronous>, transform_indices = @transform_7, window_bounds = array<i64: 8, 128>}, {pipeline_mode = #tpu.pipeline_mode<synchronous>, transform_indices = @transform_8, window_bounds = array<i64: 8, 128>}]} {
    %get3A = arith.constant 0 : index
    %get3A_0 = arith.constant 0 : index
    %get3A_1 = vector.load %arg2[%get3A, %get3A_0] : memref<400x128xf32, #tpu.memory_space<vmem>>, vector<400x128xf32>
    %convert_element_type3A = arith.truncf %get3A_1 : vector<400x128xf32> to vector<400x128xbf16>
    %get3A_2 = arith.constant 0 : index
    %get3A_3 = arith.constant 0 : index
    %get3A_4 = vector.load %arg4[%get3A_2, %get3A_3] : memref<128x256xbf16, #tpu.memory_space<vmem>>, vector<128x256xbf16>
    %dot_general3A = arith.constant dense<0.000000e+00> : vector<400x256xf32>
    %dot_general3A_5 = tpu.matmul %convert_element_type3A, %get3A_4, %dot_general3A {dimension_numbers = #tpu.dot_dimension_numbers<[1], [0], [0], [1], [0, 0, 1, 1], [], []>, transpose_lhs_hint = false} : vector<400x128xbf16>, vector<128x256xbf16>, vector<400x256xf32> -> vector<400x256xf32>
    %get3A_6 = arith.constant 0 : index
    %get3A_7 = arith.constant 0 : index
    %get3A_8 = vector.load %arg6[%get3A_6, %get3A_7] : memref<8x256xf32, #tpu.memory_space<vmem>>, vector<1x256xf32>
    %add3A = vector.broadcast %get3A_8 : vector<1x256xf32> to vector<400x256xf32>
    %add3A_9 = arith.addf %dot_general3A_5, %add3A : vector<400x256xf32>
    %get3A_10 = arith.constant 0 : index
    %get3A_11 = arith.constant 0 : index
    %get3A_12 = vector.load %arg5[%get3A_10, %get3A_11] : memref<144x256xbf16, #tpu.memory_space<vmem>>, vector<144x256xbf16>
    %get3A_13 = arith.constant 0 : index
    %get3A_14 = arith.constant 0 : index
    %get3A_15 = vector.load %arg3[%get3A_13, %get3A_14] : memref<400x512xf32, #tpu.memory_space<vmem>>, vector<400x512xf32>
    %convert_element_type3A_16 = arith.truncf %get3A_15 : vector<400x512xf32> to vector<400x512xbf16>
    %broadcast_in_dim3A = arith.constant 0.000000e+00 : f32
    %broadcast_in_dim3A_17 = vector.broadcast %broadcast_in_dim3A : f32 to vector<400x128xf32>
    %get3A_18 = arith.constant 0 : index
    %get3A_19 = arith.constant 0 : index
    %get3A_20 = arith.constant 0 : index
    %get3A_21 = vector.load %arg1[%get3A_18, %get3A_19, %get3A_20] : memref<32x400x128xf32, #tpu.memory_space<vmem>>, vector<1x400x128xf32>
    %get3A_22 = vector.shape_cast %get3A_21 : vector<1x400x128xf32> to vector<400x128xf32>
    %convert_element_type3A_23 = arith.truncf %get3A_22 : vector<400x128xf32> to vector<400x128xbf16>
    %slice3A = vector.extract_strided_slice %convert_element_type3A_16 {offsets = [0, 0], sizes = [400, 16], strides = [1, 1]} : vector<400x512xbf16> to vector<400x16xbf16>
    %concatenate3A = tpu.concatenate %convert_element_type3A_23, %slice3A in 1 : vector<400x128xbf16>, vector<400x16xbf16> -> vector<400x144xbf16>
    %dot_general3A_24 = arith.constant dense<0.000000e+00> : vector<400x256xf32>
    %dot_general3A_25 = tpu.matmul %concatenate3A, %get3A_12, %dot_general3A_24 {dimension_numbers = #tpu.dot_dimension_numbers<[1], [0], [0], [1], [0, 0, 1, 1], [], []>, transpose_lhs_hint = false} : vector<400x144xbf16>, vector<144x256xbf16>, vector<400x256xf32> -> vector<400x256xf32>
    %add3A_26 = arith.addf %add3A_9, %dot_general3A_25 : vector<400x256xf32>
    %slice3A_27 = vector.extract_strided_slice %add3A_26 {offsets = [0, 0], sizes = [400, 128], strides = [1, 1]} : vector<400x256xf32> to vector<400x128xf32>
    %slice3A_28 = vector.extract_strided_slice %add3A_26 {offsets = [0, 128], sizes = [400, 128], strides = [1, 1]} : vector<400x256xf32> to vector<400x128xf32>
    %max3A = arith.constant 0.000000e+00 : f32
    %max3A_29 = vector.broadcast %max3A : f32 to vector<400x128xf32>
    %max3A_30 = arith.maximumf %slice3A_28, %max3A_29 : vector<400x128xf32>
    %abs3A = math.absf %slice3A_28 : vector<400x128xf32>
    %neg3A = arith.constant 0.000000e+00 : f32
    %neg3A_31 = vector.broadcast %neg3A : f32 to vector<400x128xf32>
    %neg3A_32 = arith.subf %neg3A_31, %abs3A : vector<400x128xf32>
    %exp23A = math.exp2 %neg3A_32 : vector<400x128xf32>
    %add3A_33 = arith.constant 1.000000e+00 : f32
    %add3A_34 = vector.broadcast %add3A_33 : f32 to vector<400x128xf32>
    %add3A_35 = arith.addf %add3A_34, %exp23A : vector<400x128xf32>
    %log3A = math.log %add3A_35 : vector<400x128xf32>
    %log3A_36 = arith.constant 2.000000e+00 : f32
    %log3A_37 = math.log %log3A_36 : f32
    %div3A = vector.broadcast %log3A_37 : f32 to vector<400x128xf32>
    %div3A_38 = arith.divf %log3A, %div3A : vector<400x128xf32>
    %add3A_39 = arith.addf %max3A_30, %div3A_38 : vector<400x128xf32>
    %tanh3A = math.tanh %slice3A_27 : vector<400x128xf32>
    %add3A_40 = arith.constant 1.000000e+00 : f32
    %add3A_41 = vector.broadcast %add3A_40 : f32 to vector<400x128xf32>
    %add3A_42 = arith.addf %add3A_41, %tanh3A : vector<400x128xf32>
    %mul3A = arith.mulf %add3A_42, %add3A_39 : vector<400x128xf32>
    %add3A_43 = arith.addf %broadcast_in_dim3A_17, %mul3A : vector<400x128xf32>
    %get3A_44 = arith.constant 1 : index
    %get3A_45 = arith.constant 0 : index
    %get3A_46 = arith.constant 0 : index
    %get3A_47 = vector.load %arg1[%get3A_44, %get3A_45, %get3A_46] : memref<32x400x128xf32, #tpu.memory_space<vmem>>, vector<1x400x128xf32>
    %get3A_48 = vector.shape_cast %get3A_47 : vector<1x400x128xf32> to vector<400x128xf32>
    %convert_element_type3A_49 = arith.truncf %get3A_48 : vector<400x128xf32> to vector<400x128xbf16>
    %slice3A_50 = vector.extract_strided_slice %convert_element_type3A_16 {offsets = [0, 16], sizes = [400, 16], strides = [1, 1]} : vector<400x512xbf16> to vector<400x16xbf16>
    %concatenate3A_51 = tpu.concatenate %convert_element_type3A_49, %slice3A_50 in 1 : vector<400x128xbf16>, vector<400x16xbf16> -> vector<400x144xbf16>
    %dot_general3A_52 = arith.constant dense<0.000000e+00> : vector<400x256xf32>
    %dot_general3A_53 = tpu.matmul %concatenate3A_51, %get3A_12, %dot_general3A_52 {dimension_numbers = #tpu.dot_dimension_numbers<[1], [0], [0], [1], [0, 0, 1, 1], [], []>, transpose_lhs_hint = false} : vector<400x144xbf16>, vector<144x256xbf16>, vector<400x256xf32> -> vector<400x256xf32>
    %add3A_54 = arith.addf %add3A_9, %dot_general3A_53 : vector<400x256xf32>
    %slice3A_55 = vector.extract_strided_slice %add3A_54 {offsets = [0, 0], sizes = [400, 128], strides = [1, 1]} : vector<400x256xf32> to vector<400x128xf32>
    %slice3A_56 = vector.extract_strided_slice %add3A_54 {offsets = [0, 128], sizes = [400, 128], strides = [1, 1]} : vector<400x256xf32> to vector<400x128xf32>
    %max3A_57 = arith.constant 0.000000e+00 : f32
    %max3A_58 = vector.broadcast %max3A_57 : f32 to vector<400x128xf32>
    %max3A_59 = arith.maximumf %slice3A_56, %max3A_58 : vector<400x128xf32>
    %abs3A_60 = math.absf %slice3A_56 : vector<400x128xf32>
    %neg3A_61 = arith.constant 0.000000e+00 : f32
    %neg3A_62 = vector.broadcast %neg3A_61 : f32 to vector<400x128xf32>
    %neg3A_63 = arith.subf %neg3A_62, %abs3A_60 : vector<400x128xf32>
    %exp23A_64 = math.exp2 %neg3A_63 : vector<400x128xf32>
    %add3A_65 = arith.constant 1.000000e+00 : f32
    %add3A_66 = vector.broadcast %add3A_65 : f32 to vector<400x128xf32>
    %add3A_67 = arith.addf %add3A_66, %exp23A_64 : vector<400x128xf32>
    %log3A_68 = math.log %add3A_67 : vector<400x128xf32>
    %log3A_69 = arith.constant 2.000000e+00 : f32
    %log3A_70 = math.log %log3A_69 : f32
    %div3A_71 = vector.broadcast %log3A_70 : f32 to vector<400x128xf32>
    %div3A_72 = arith.divf %log3A_68, %div3A_71 : vector<400x128xf32>
    %add3A_73 = arith.addf %max3A_59, %div3A_72 : vector<400x128xf32>
    %tanh3A_74 = math.tanh %slice3A_55 : vector<400x128xf32>
    %add3A_75 = arith.constant 1.000000e+00 : f32
    %add3A_76 = vector.broadcast %add3A_75 : f32 to vector<400x128xf32>
    %add3A_77 = arith.addf %add3A_76, %tanh3A_74 : vector<400x128xf32>
    %mul3A_78 = arith.mulf %add3A_77, %add3A_73 : vector<400x128xf32>
    %add3A_79 = arith.addf %add3A_43, %mul3A_78 : vector<400x128xf32>
    %get3A_80 = arith.constant 2 : index
    %get3A_81 = arith.constant 0 : index
    %get3A_82 = arith.constant 0 : index
    %get3A_83 = vector.load %arg1[%get3A_80, %get3A_81, %get3A_82] : memref<32x400x128xf32, #tpu.memory_space<vmem>>, vector<1x400x128xf32>
    %get3A_84 = vector.shape_cast %get3A_83 : vector<1x400x128xf32> to vector<400x128xf32>
    %convert_element_type3A_85 = arith.truncf %get3A_84 : vector<400x128xf32> to vector<400x128xbf16>
    %slice3A_86 = vector.extract_strided_slice %convert_element_type3A_16 {offsets = [0, 32], sizes = [400, 16], strides = [1, 1]} : vector<400x512xbf16> to vector<400x16xbf16>
    %concatenate3A_87 = tpu.concatenate %convert_element_type3A_85, %slice3A_86 in 1 : vector<400x128xbf16>, vector<400x16xbf16> -> vector<400x144xbf16>
    %dot_general3A_88 = arith.constant dense<0.000000e+00> : vector<400x256xf32>
    %dot_general3A_89 = tpu.matmul %concatenate3A_87, %get3A_12, %dot_general3A_88 {dimension_numbers = #tpu.dot_dimension_numbers<[1], [0], [0], [1], [0, 0, 1, 1], [], []>, transpose_lhs_hint = false} : vector<400x144xbf16>, vector<144x256xbf16>, vector<400x256xf32> -> vector<400x256xf32>
    %add3A_90 = arith.addf %add3A_9, %dot_general3A_89 : vector<400x256xf32>
    %slice3A_91 = vector.extract_strided_slice %add3A_90 {offsets = [0, 0], sizes = [400, 128], strides = [1, 1]} : vector<400x256xf32> to vector<400x128xf32>
    %slice3A_92 = vector.extract_strided_slice %add3A_90 {offsets = [0, 128], sizes = [400, 128], strides = [1, 1]} : vector<400x256xf32> to vector<400x128xf32>
    %max3A_93 = arith.constant 0.000000e+00 : f32
    %max3A_94 = vector.broadcast %max3A_93 : f32 to vector<400x128xf32>
    %max3A_95 = arith.maximumf %slice3A_92, %max3A_94 : vector<400x128xf32>
    %abs3A_96 = math.absf %slice3A_92 : vector<400x128xf32>
    %neg3A_97 = arith.constant 0.000000e+00 : f32
    %neg3A_98 = vector.broadcast %neg3A_97 : f32 to vector<400x128xf32>
    %neg3A_99 = arith.subf %neg3A_98, %abs3A_96 : vector<400x128xf32>
    %exp23A_100 = math.exp2 %neg3A_99 : vector<400x128xf32>
    %add3A_101 = arith.constant 1.000000e+00 : f32
    %add3A_102 = vector.broadcast %add3A_101 : f32 to vector<400x128xf32>
    %add3A_103 = arith.addf %add3A_102, %exp23A_100 : vector<400x128xf32>
    %log3A_104 = math.log %add3A_103 : vector<400x128xf32>
    %log3A_105 = arith.constant 2.000000e+00 : f32
    %log3A_106 = math.log %log3A_105 : f32
    %div3A_107 = vector.broadcast %log3A_106 : f32 to vector<400x128xf32>
    %div3A_108 = arith.divf %log3A_104, %div3A_107 : vector<400x128xf32>
    %add3A_109 = arith.addf %max3A_95, %div3A_108 : vector<400x128xf32>
    %tanh3A_110 = math.tanh %slice3A_91 : vector<400x128xf32>
    %add3A_111 = arith.constant 1.000000e+00 : f32
    %add3A_112 = vector.broadcast %add3A_111 : f32 to vector<400x128xf32>
    %add3A_113 = arith.addf %add3A_112, %tanh3A_110 : vector<400x128xf32>
    %mul3A_114 = arith.mulf %add3A_113, %add3A_109 : vector<400x128xf32>
    %add3A_115 = arith.addf %add3A_79, %mul3A_114 : vector<400x128xf32>
    %get3A_116 = arith.constant 3 : index
    %get3A_117 = arith.constant 0 : index
    %get3A_118 = arith.constant 0 : index
    %get3A_119 = vector.load %arg1[%get3A_116, %get3A_117, %get3A_118] : memref<32x400x128xf32, #tpu.memory_space<vmem>>, vector<1x400x128xf32>
    %get3A_120 = vector.shape_cast %get3A_119 : vector<1x400x128xf32> to vector<400x128xf32>
    %convert_element_type3A_121 = arith.truncf %get3A_120 : vector<400x128xf32> to vector<400x128xbf16>
    %slice3A_122 = vector.extract_strided_slice %convert_element_type3A_16 {offsets = [0, 48], sizes = [400, 16], strides = [1, 1]} : vector<400x512xbf16> to vector<400x16xbf16>
    %concatenate3A_123 = tpu.concatenate %convert_element_type3A_121, %slice3A_122 in 1 : vector<400x128xbf16>, vector<400x16xbf16> -> vector<400x144xbf16>
    %dot_general3A_124 = arith.constant dense<0.000000e+00> : vector<400x256xf32>
    %dot_general3A_125 = tpu.matmul %concatenate3A_123, %get3A_12, %dot_general3A_124 {dimension_numbers = #tpu.dot_dimension_numbers<[1], [0], [0], [1], [0, 0, 1, 1], [], []>, transpose_lhs_hint = false} : vector<400x144xbf16>, vector<144x256xbf16>, vector<400x256xf32> -> vector<400x256xf32>
    %add3A_126 = arith.addf %add3A_9, %dot_general3A_125 : vector<400x256xf32>
    %slice3A_127 = vector.extract_strided_slice %add3A_126 {offsets = [0, 0], sizes = [400, 128], strides = [1, 1]} : vector<400x256xf32> to vector<400x128xf32>
    %slice3A_128 = vector.extract_strided_slice %add3A_126 {offsets = [0, 128], sizes = [400, 128], strides = [1, 1]} : vector<400x256xf32> to vector<400x128xf32>
    %max3A_129 = arith.constant 0.000000e+00 : f32
    %max3A_130 = vector.broadcast %max3A_129 : f32 to vector<400x128xf32>
    %max3A_131 = arith.maximumf %slice3A_128, %max3A_130 : vector<400x128xf32>
    %abs3A_132 = math.absf %slice3A_128 : vector<400x128xf32>
    %neg3A_133 = arith.constant 0.000000e+00 : f32
    %neg3A_134 = vector.broadcast %neg3A_133 : f32 to vector<400x128xf32>
    %neg3A_135 = arith.subf %neg3A_134, %abs3A_132 : vector<400x128xf32>
    %exp23A_136 = math.exp2 %neg3A_135 : vector<400x128xf32>
    %add3A_137 = arith.constant 1.000000e+00 : f32
    %add3A_138 = vector.broadcast %add3A_137 : f32 to vector<400x128xf32>
    %add3A_139 = arith.addf %add3A_138, %exp23A_136 : vector<400x128xf32>
    %log3A_140 = math.log %add3A_139 : vector<400x128xf32>
    %log3A_141 = arith.constant 2.000000e+00 : f32
    %log3A_142 = math.log %log3A_141 : f32
    %div3A_143 = vector.broadcast %log3A_142 : f32 to vector<400x128xf32>
    %div3A_144 = arith.divf %log3A_140, %div3A_143 : vector<400x128xf32>
    %add3A_145 = arith.addf %max3A_131, %div3A_144 : vector<400x128xf32>
    %tanh3A_146 = math.tanh %slice3A_127 : vector<400x128xf32>
    %add3A_147 = arith.constant 1.000000e+00 : f32
    %add3A_148 = vector.broadcast %add3A_147 : f32 to vector<400x128xf32>
    %add3A_149 = arith.addf %add3A_148, %tanh3A_146 : vector<400x128xf32>
    %mul3A_150 = arith.mulf %add3A_149, %add3A_145 : vector<400x128xf32>
    %add3A_151 = arith.addf %add3A_115, %mul3A_150 : vector<400x128xf32>
    %get3A_152 = arith.constant 4 : index
    %get3A_153 = arith.constant 0 : index
    %get3A_154 = arith.constant 0 : index
    %get3A_155 = vector.load %arg1[%get3A_152, %get3A_153, %get3A_154] : memref<32x400x128xf32, #tpu.memory_space<vmem>>, vector<1x400x128xf32>
    %get3A_156 = vector.shape_cast %get3A_155 : vector<1x400x128xf32> to vector<400x128xf32>
    %convert_element_type3A_157 = arith.truncf %get3A_156 : vector<400x128xf32> to vector<400x128xbf16>
    %slice3A_158 = vector.extract_strided_slice %convert_element_type3A_16 {offsets = [0, 64], sizes = [400, 16], strides = [1, 1]} : vector<400x512xbf16> to vector<400x16xbf16>
    %concatenate3A_159 = tpu.concatenate %convert_element_type3A_157, %slice3A_158 in 1 : vector<400x128xbf16>, vector<400x16xbf16> -> vector<400x144xbf16>
    %dot_general3A_160 = arith.constant dense<0.000000e+00> : vector<400x256xf32>
    %dot_general3A_161 = tpu.matmul %concatenate3A_159, %get3A_12, %dot_general3A_160 {dimension_numbers = #tpu.dot_dimension_numbers<[1], [0], [0], [1], [0, 0, 1, 1], [], []>, transpose_lhs_hint = false} : vector<400x144xbf16>, vector<144x256xbf16>, vector<400x256xf32> -> vector<400x256xf32>
    %add3A_162 = arith.addf %add3A_9, %dot_general3A_161 : vector<400x256xf32>
    %slice3A_163 = vector.extract_strided_slice %add3A_162 {offsets = [0, 0], sizes = [400, 128], strides = [1, 1]} : vector<400x256xf32> to vector<400x128xf32>
    %slice3A_164 = vector.extract_strided_slice %add3A_162 {offsets = [0, 128], sizes = [400, 128], strides = [1, 1]} : vector<400x256xf32> to vector<400x128xf32>
    %max3A_165 = arith.constant 0.000000e+00 : f32
    %max3A_166 = vector.broadcast %max3A_165 : f32 to vector<400x128xf32>
    %max3A_167 = arith.maximumf %slice3A_164, %max3A_166 : vector<400x128xf32>
    %abs3A_168 = math.absf %slice3A_164 : vector<400x128xf32>
    %neg3A_169 = arith.constant 0.000000e+00 : f32
    %neg3A_170 = vector.broadcast %neg3A_169 : f32 to vector<400x128xf32>
    %neg3A_171 = arith.subf %neg3A_170, %abs3A_168 : vector<400x128xf32>
    %exp23A_172 = math.exp2 %neg3A_171 : vector<400x128xf32>
    %add3A_173 = arith.constant 1.000000e+00 : f32
    %add3A_174 = vector.broadcast %add3A_173 : f32 to vector<400x128xf32>
    %add3A_175 = arith.addf %add3A_174, %exp23A_172 : vector<400x128xf32>
    %log3A_176 = math.log %add3A_175 : vector<400x128xf32>
    %log3A_177 = arith.constant 2.000000e+00 : f32
    %log3A_178 = math.log %log3A_177 : f32
    %div3A_179 = vector.broadcast %log3A_178 : f32 to vector<400x128xf32>
    %div3A_180 = arith.divf %log3A_176, %div3A_179 : vector<400x128xf32>
    %add3A_181 = arith.addf %max3A_167, %div3A_180 : vector<400x128xf32>
    %tanh3A_182 = math.tanh %slice3A_163 : vector<400x128xf32>
    %add3A_183 = arith.constant 1.000000e+00 : f32
    %add3A_184 = vector.broadcast %add3A_183 : f32 to vector<400x128xf32>
    %add3A_185 = arith.addf %add3A_184, %tanh3A_182 : vector<400x128xf32>
    %mul3A_186 = arith.mulf %add3A_185, %add3A_181 : vector<400x128xf32>
    %add3A_187 = arith.addf %add3A_151, %mul3A_186 : vector<400x128xf32>
    %get3A_188 = arith.constant 5 : index
    %get3A_189 = arith.constant 0 : index
    %get3A_190 = arith.constant 0 : index
    %get3A_191 = vector.load %arg1[%get3A_188, %get3A_189, %get3A_190] : memref<32x400x128xf32, #tpu.memory_space<vmem>>, vector<1x400x128xf32>
    %get3A_192 = vector.shape_cast %get3A_191 : vector<1x400x128xf32> to vector<400x128xf32>
    %convert_element_type3A_193 = arith.truncf %get3A_192 : vector<400x128xf32> to vector<400x128xbf16>
    %slice3A_194 = vector.extract_strided_slice %convert_element_type3A_16 {offsets = [0, 80], sizes = [400, 16], strides = [1, 1]} : vector<400x512xbf16> to vector<400x16xbf16>
    %concatenate3A_195 = tpu.concatenate %convert_element_type3A_193, %slice3A_194 in 1 : vector<400x128xbf16>, vector<400x16xbf16> -> vector<400x144xbf16>
    %dot_general3A_196 = arith.constant dense<0.000000e+00> : vector<400x256xf32>
    %dot_general3A_197 = tpu.matmul %concatenate3A_195, %get3A_12, %dot_general3A_196 {dimension_numbers = #tpu.dot_dimension_numbers<[1], [0], [0], [1], [0, 0, 1, 1], [], []>, transpose_lhs_hint = false} : vector<400x144xbf16>, vector<144x256xbf16>, vector<400x256xf32> -> vector<400x256xf32>
    %add3A_198 = arith.addf %add3A_9, %dot_general3A_197 : vector<400x256xf32>
    %slice3A_199 = vector.extract_strided_slice %add3A_198 {offsets = [0, 0], sizes = [400, 128], strides = [1, 1]} : vector<400x256xf32> to vector<400x128xf32>
    %slice3A_200 = vector.extract_strided_slice %add3A_198 {offsets = [0, 128], sizes = [400, 128], strides = [1, 1]} : vector<400x256xf32> to vector<400x128xf32>
    %max3A_201 = arith.constant 0.000000e+00 : f32
    %max3A_202 = vector.broadcast %max3A_201 : f32 to vector<400x128xf32>
    %max3A_203 = arith.maximumf %slice3A_200, %max3A_202 : vector<400x128xf32>
    %abs3A_204 = math.absf %slice3A_200 : vector<400x128xf32>
    %neg3A_205 = arith.constant 0.000000e+00 : f32
    %neg3A_206 = vector.broadcast %neg3A_205 : f32 to vector<400x128xf32>
    %neg3A_207 = arith.subf %neg3A_206, %abs3A_204 : vector<400x128xf32>
    %exp23A_208 = math.exp2 %neg3A_207 : vector<400x128xf32>
    %add3A_209 = arith.constant 1.000000e+00 : f32
    %add3A_210 = vector.broadcast %add3A_209 : f32 to vector<400x128xf32>
    %add3A_211 = arith.addf %add3A_210, %exp23A_208 : vector<400x128xf32>
    %log3A_212 = math.log %add3A_211 : vector<400x128xf32>
    %log3A_213 = arith.constant 2.000000e+00 : f32
    %log3A_214 = math.log %log3A_213 : f32
    %div3A_215 = vector.broadcast %log3A_214 : f32 to vector<400x128xf32>
    %div3A_216 = arith.divf %log3A_212, %div3A_215 : vector<400x128xf32>
    %add3A_217 = arith.addf %max3A_203, %div3A_216 : vector<400x128xf32>
    %tanh3A_218 = math.tanh %slice3A_199 : vector<400x128xf32>
    %add3A_219 = arith.constant 1.000000e+00 : f32
    %add3A_220 = vector.broadcast %add3A_219 : f32 to vector<400x128xf32>
    %add3A_221 = arith.addf %add3A_220, %tanh3A_218 : vector<400x128xf32>
    %mul3A_222 = arith.mulf %add3A_221, %add3A_217 : vector<400x128xf32>
    %add3A_223 = arith.addf %add3A_187, %mul3A_222 : vector<400x128xf32>
    %get3A_224 = arith.constant 6 : index
    %get3A_225 = arith.constant 0 : index
    %get3A_226 = arith.constant 0 : index
    %get3A_227 = vector.load %arg1[%get3A_224, %get3A_225, %get3A_226] : memref<32x400x128xf32, #tpu.memory_space<vmem>>, vector<1x400x128xf32>
    %get3A_228 = vector.shape_cast %get3A_227 : vector<1x400x128xf32> to vector<400x128xf32>
    %convert_element_type3A_229 = arith.truncf %get3A_228 : vector<400x128xf32> to vector<400x128xbf16>
    %slice3A_230 = vector.extract_strided_slice %convert_element_type3A_16 {offsets = [0, 96], sizes = [400, 16], strides = [1, 1]} : vector<400x512xbf16> to vector<400x16xbf16>
    %concatenate3A_231 = tpu.concatenate %convert_element_type3A_229, %slice3A_230 in 1 : vector<400x128xbf16>, vector<400x16xbf16> -> vector<400x144xbf16>
    %dot_general3A_232 = arith.constant dense<0.000000e+00> : vector<400x256xf32>
    %dot_general3A_233 = tpu.matmul %concatenate3A_231, %get3A_12, %dot_general3A_232 {dimension_numbers = #tpu.dot_dimension_numbers<[1], [0], [0], [1], [0, 0, 1, 1], [], []>, transpose_lhs_hint = false} : vector<400x144xbf16>, vector<144x256xbf16>, vector<400x256xf32> -> vector<400x256xf32>
    %add3A_234 = arith.addf %add3A_9, %dot_general3A_233 : vector<400x256xf32>
    %slice3A_235 = vector.extract_strided_slice %add3A_234 {offsets = [0, 0], sizes = [400, 128], strides = [1, 1]} : vector<400x256xf32> to vector<400x128xf32>
    %slice3A_236 = vector.extract_strided_slice %add3A_234 {offsets = [0, 128], sizes = [400, 128], strides = [1, 1]} : vector<400x256xf32> to vector<400x128xf32>
    %max3A_237 = arith.constant 0.000000e+00 : f32
    %max3A_238 = vector.broadcast %max3A_237 : f32 to vector<400x128xf32>
    %max3A_239 = arith.maximumf %slice3A_236, %max3A_238 : vector<400x128xf32>
    %abs3A_240 = math.absf %slice3A_236 : vector<400x128xf32>
    %neg3A_241 = arith.constant 0.000000e+00 : f32
    %neg3A_242 = vector.broadcast %neg3A_241 : f32 to vector<400x128xf32>
    %neg3A_243 = arith.subf %neg3A_242, %abs3A_240 : vector<400x128xf32>
    %exp23A_244 = math.exp2 %neg3A_243 : vector<400x128xf32>
    %add3A_245 = arith.constant 1.000000e+00 : f32
    %add3A_246 = vector.broadcast %add3A_245 : f32 to vector<400x128xf32>
    %add3A_247 = arith.addf %add3A_246, %exp23A_244 : vector<400x128xf32>
    %log3A_248 = math.log %add3A_247 : vector<400x128xf32>
    %log3A_249 = arith.constant 2.000000e+00 : f32
    %log3A_250 = math.log %log3A_249 : f32
    %div3A_251 = vector.broadcast %log3A_250 : f32 to vector<400x128xf32>
    %div3A_252 = arith.divf %log3A_248, %div3A_251 : vector<400x128xf32>
    %add3A_253 = arith.addf %max3A_239, %div3A_252 : vector<400x128xf32>
    %tanh3A_254 = math.tanh %slice3A_235 : vector<400x128xf32>
    %add3A_255 = arith.constant 1.000000e+00 : f32
    %add3A_256 = vector.broadcast %add3A_255 : f32 to vector<400x128xf32>
    %add3A_257 = arith.addf %add3A_256, %tanh3A_254 : vector<400x128xf32>
    %mul3A_258 = arith.mulf %add3A_257, %add3A_253 : vector<400x128xf32>
    %add3A_259 = arith.addf %add3A_223, %mul3A_258 : vector<400x128xf32>
    %get3A_260 = arith.constant 7 : index
    %get3A_261 = arith.constant 0 : index
    %get3A_262 = arith.constant 0 : index
    %get3A_263 = vector.load %arg1[%get3A_260, %get3A_261, %get3A_262] : memref<32x400x128xf32, #tpu.memory_space<vmem>>, vector<1x400x128xf32>
    %get3A_264 = vector.shape_cast %get3A_263 : vector<1x400x128xf32> to vector<400x128xf32>
    %convert_element_type3A_265 = arith.truncf %get3A_264 : vector<400x128xf32> to vector<400x128xbf16>
    %slice3A_266 = vector.extract_strided_slice %convert_element_type3A_16 {offsets = [0, 112], sizes = [400, 16], strides = [1, 1]} : vector<400x512xbf16> to vector<400x16xbf16>
    %concatenate3A_267 = tpu.concatenate %convert_element_type3A_265, %slice3A_266 in 1 : vector<400x128xbf16>, vector<400x16xbf16> -> vector<400x144xbf16>
    %dot_general3A_268 = arith.constant dense<0.000000e+00> : vector<400x256xf32>
    %dot_general3A_269 = tpu.matmul %concatenate3A_267, %get3A_12, %dot_general3A_268 {dimension_numbers = #tpu.dot_dimension_numbers<[1], [0], [0], [1], [0, 0, 1, 1], [], []>, transpose_lhs_hint = false} : vector<400x144xbf16>, vector<144x256xbf16>, vector<400x256xf32> -> vector<400x256xf32>
    %add3A_270 = arith.addf %add3A_9, %dot_general3A_269 : vector<400x256xf32>
    %slice3A_271 = vector.extract_strided_slice %add3A_270 {offsets = [0, 0], sizes = [400, 128], strides = [1, 1]} : vector<400x256xf32> to vector<400x128xf32>
    %slice3A_272 = vector.extract_strided_slice %add3A_270 {offsets = [0, 128], sizes = [400, 128], strides = [1, 1]} : vector<400x256xf32> to vector<400x128xf32>
    %max3A_273 = arith.constant 0.000000e+00 : f32
    %max3A_274 = vector.broadcast %max3A_273 : f32 to vector<400x128xf32>
    %max3A_275 = arith.maximumf %slice3A_272, %max3A_274 : vector<400x128xf32>
    %abs3A_276 = math.absf %slice3A_272 : vector<400x128xf32>
    %neg3A_277 = arith.constant 0.000000e+00 : f32
    %neg3A_278 = vector.broadcast %neg3A_277 : f32 to vector<400x128xf32>
    %neg3A_279 = arith.subf %neg3A_278, %abs3A_276 : vector<400x128xf32>
    %exp23A_280 = math.exp2 %neg3A_279 : vector<400x128xf32>
    %add3A_281 = arith.constant 1.000000e+00 : f32
    %add3A_282 = vector.broadcast %add3A_281 : f32 to vector<400x128xf32>
    %add3A_283 = arith.addf %add3A_282, %exp23A_280 : vector<400x128xf32>
    %log3A_284 = math.log %add3A_283 : vector<400x128xf32>
    %log3A_285 = arith.constant 2.000000e+00 : f32
    %log3A_286 = math.log %log3A_285 : f32
    %div3A_287 = vector.broadcast %log3A_286 : f32 to vector<400x128xf32>
    %div3A_288 = arith.divf %log3A_284, %div3A_287 : vector<400x128xf32>
    %add3A_289 = arith.addf %max3A_275, %div3A_288 : vector<400x128xf32>
    %tanh3A_290 = math.tanh %slice3A_271 : vector<400x128xf32>
    %add3A_291 = arith.constant 1.000000e+00 : f32
    %add3A_292 = vector.broadcast %add3A_291 : f32 to vector<400x128xf32>
    %add3A_293 = arith.addf %add3A_292, %tanh3A_290 : vector<400x128xf32>
    %mul3A_294 = arith.mulf %add3A_293, %add3A_289 : vector<400x128xf32>
    %add3A_295 = arith.addf %add3A_259, %mul3A_294 : vector<400x128xf32>
    %get3A_296 = arith.constant 8 : index
    %get3A_297 = arith.constant 0 : index
    %get3A_298 = arith.constant 0 : index
    %get3A_299 = vector.load %arg1[%get3A_296, %get3A_297, %get3A_298] : memref<32x400x128xf32, #tpu.memory_space<vmem>>, vector<1x400x128xf32>
    %get3A_300 = vector.shape_cast %get3A_299 : vector<1x400x128xf32> to vector<400x128xf32>
    %convert_element_type3A_301 = arith.truncf %get3A_300 : vector<400x128xf32> to vector<400x128xbf16>
    %slice3A_302 = vector.extract_strided_slice %convert_element_type3A_16 {offsets = [0, 128], sizes = [400, 16], strides = [1, 1]} : vector<400x512xbf16> to vector<400x16xbf16>
    %concatenate3A_303 = tpu.concatenate %convert_element_type3A_301, %slice3A_302 in 1 : vector<400x128xbf16>, vector<400x16xbf16> -> vector<400x144xbf16>
    %dot_general3A_304 = arith.constant dense<0.000000e+00> : vector<400x256xf32>
    %dot_general3A_305 = tpu.matmul %concatenate3A_303, %get3A_12, %dot_general3A_304 {dimension_numbers = #tpu.dot_dimension_numbers<[1], [0], [0], [1], [0, 0, 1, 1], [], []>, transpose_lhs_hint = false} : vector<400x144xbf16>, vector<144x256xbf16>, vector<400x256xf32> -> vector<400x256xf32>
    %add3A_306 = arith.addf %add3A_9, %dot_general3A_305 : vector<400x256xf32>
    %slice3A_307 = vector.extract_strided_slice %add3A_306 {offsets = [0, 0], sizes = [400, 128], strides = [1, 1]} : vector<400x256xf32> to vector<400x128xf32>
    %slice3A_308 = vector.extract_strided_slice %add3A_306 {offsets = [0, 128], sizes = [400, 128], strides = [1, 1]} : vector<400x256xf32> to vector<400x128xf32>
    %max3A_309 = arith.constant 0.000000e+00 : f32
    %max3A_310 = vector.broadcast %max3A_309 : f32 to vector<400x128xf32>
    %max3A_311 = arith.maximumf %slice3A_308, %max3A_310 : vector<400x128xf32>
    %abs3A_312 = math.absf %slice3A_308 : vector<400x128xf32>
    %neg3A_313 = arith.constant 0.000000e+00 : f32
    %neg3A_314 = vector.broadcast %neg3A_313 : f32 to vector<400x128xf32>
    %neg3A_315 = arith.subf %neg3A_314, %abs3A_312 : vector<400x128xf32>
    %exp23A_316 = math.exp2 %neg3A_315 : vector<400x128xf32>
    %add3A_317 = arith.constant 1.000000e+00 : f32
    %add3A_318 = vector.broadcast %add3A_317 : f32 to vector<400x128xf32>
    %add3A_319 = arith.addf %add3A_318, %exp23A_316 : vector<400x128xf32>
    %log3A_320 = math.log %add3A_319 : vector<400x128xf32>
    %log3A_321 = arith.constant 2.000000e+00 : f32
    %log3A_322 = math.log %log3A_321 : f32
    %div3A_323 = vector.broadcast %log3A_322 : f32 to vector<400x128xf32>
    %div3A_324 = arith.divf %log3A_320, %div3A_323 : vector<400x128xf32>
    %add3A_325 = arith.addf %max3A_311, %div3A_324 : vector<400x128xf32>
    %tanh3A_326 = math.tanh %slice3A_307 : vector<400x128xf32>
    %add3A_327 = arith.constant 1.000000e+00 : f32
    %add3A_328 = vector.broadcast %add3A_327 : f32 to vector<400x128xf32>
    %add3A_329 = arith.addf %add3A_328, %tanh3A_326 : vector<400x128xf32>
    %mul3A_330 = arith.mulf %add3A_329, %add3A_325 : vector<400x128xf32>
    %add3A_331 = arith.addf %add3A_295, %mul3A_330 : vector<400x128xf32>
    %get3A_332 = arith.constant 9 : index
    %get3A_333 = arith.constant 0 : index
    %get3A_334 = arith.constant 0 : index
    %get3A_335 = vector.load %arg1[%get3A_332, %get3A_333, %get3A_334] : memref<32x400x128xf32, #tpu.memory_space<vmem>>, vector<1x400x128xf32>
    %get3A_336 = vector.shape_cast %get3A_335 : vector<1x400x128xf32> to vector<400x128xf32>
    %convert_element_type3A_337 = arith.truncf %get3A_336 : vector<400x128xf32> to vector<400x128xbf16>
    %slice3A_338 = vector.extract_strided_slice %convert_element_type3A_16 {offsets = [0, 144], sizes = [400, 16], strides = [1, 1]} : vector<400x512xbf16> to vector<400x16xbf16>
    %concatenate3A_339 = tpu.concatenate %convert_element_type3A_337, %slice3A_338 in 1 : vector<400x128xbf16>, vector<400x16xbf16> -> vector<400x144xbf16>
    %dot_general3A_340 = arith.constant dense<0.000000e+00> : vector<400x256xf32>
    %dot_general3A_341 = tpu.matmul %concatenate3A_339, %get3A_12, %dot_general3A_340 {dimension_numbers = #tpu.dot_dimension_numbers<[1], [0], [0], [1], [0, 0, 1, 1], [], []>, transpose_lhs_hint = false} : vector<400x144xbf16>, vector<144x256xbf16>, vector<400x256xf32> -> vector<400x256xf32>
    %add3A_342 = arith.addf %add3A_9, %dot_general3A_341 : vector<400x256xf32>
    %slice3A_343 = vector.extract_strided_slice %add3A_342 {offsets = [0, 0], sizes = [400, 128], strides = [1, 1]} : vector<400x256xf32> to vector<400x128xf32>
    %slice3A_344 = vector.extract_strided_slice %add3A_342 {offsets = [0, 128], sizes = [400, 128], strides = [1, 1]} : vector<400x256xf32> to vector<400x128xf32>
    %max3A_345 = arith.constant 0.000000e+00 : f32
    %max3A_346 = vector.broadcast %max3A_345 : f32 to vector<400x128xf32>
    %max3A_347 = arith.maximumf %slice3A_344, %max3A_346 : vector<400x128xf32>
    %abs3A_348 = math.absf %slice3A_344 : vector<400x128xf32>
    %neg3A_349 = arith.constant 0.000000e+00 : f32
    %neg3A_350 = vector.broadcast %neg3A_349 : f32 to vector<400x128xf32>
    %neg3A_351 = arith.subf %neg3A_350, %abs3A_348 : vector<400x128xf32>
    %exp23A_352 = math.exp2 %neg3A_351 : vector<400x128xf32>
    %add3A_353 = arith.constant 1.000000e+00 : f32
    %add3A_354 = vector.broadcast %add3A_353 : f32 to vector<400x128xf32>
    %add3A_355 = arith.addf %add3A_354, %exp23A_352 : vector<400x128xf32>
    %log3A_356 = math.log %add3A_355 : vector<400x128xf32>
    %log3A_357 = arith.constant 2.000000e+00 : f32
    %log3A_358 = math.log %log3A_357 : f32
    %div3A_359 = vector.broadcast %log3A_358 : f32 to vector<400x128xf32>
    %div3A_360 = arith.divf %log3A_356, %div3A_359 : vector<400x128xf32>
    %add3A_361 = arith.addf %max3A_347, %div3A_360 : vector<400x128xf32>
    %tanh3A_362 = math.tanh %slice3A_343 : vector<400x128xf32>
    %add3A_363 = arith.constant 1.000000e+00 : f32
    %add3A_364 = vector.broadcast %add3A_363 : f32 to vector<400x128xf32>
    %add3A_365 = arith.addf %add3A_364, %tanh3A_362 : vector<400x128xf32>
    %mul3A_366 = arith.mulf %add3A_365, %add3A_361 : vector<400x128xf32>
    %add3A_367 = arith.addf %add3A_331, %mul3A_366 : vector<400x128xf32>
    %get3A_368 = arith.constant 10 : index
    %get3A_369 = arith.constant 0 : index
    %get3A_370 = arith.constant 0 : index
    %get3A_371 = vector.load %arg1[%get3A_368, %get3A_369, %get3A_370] : memref<32x400x128xf32, #tpu.memory_space<vmem>>, vector<1x400x128xf32>
    %get3A_372 = vector.shape_cast %get3A_371 : vector<1x400x128xf32> to vector<400x128xf32>
    %convert_element_type3A_373 = arith.truncf %get3A_372 : vector<400x128xf32> to vector<400x128xbf16>
    %slice3A_374 = vector.extract_strided_slice %convert_element_type3A_16 {offsets = [0, 160], sizes = [400, 16], strides = [1, 1]} : vector<400x512xbf16> to vector<400x16xbf16>
    %concatenate3A_375 = tpu.concatenate %convert_element_type3A_373, %slice3A_374 in 1 : vector<400x128xbf16>, vector<400x16xbf16> -> vector<400x144xbf16>
    %dot_general3A_376 = arith.constant dense<0.000000e+00> : vector<400x256xf32>
    %dot_general3A_377 = tpu.matmul %concatenate3A_375, %get3A_12, %dot_general3A_376 {dimension_numbers = #tpu.dot_dimension_numbers<[1], [0], [0], [1], [0, 0, 1, 1], [], []>, transpose_lhs_hint = false} : vector<400x144xbf16>, vector<144x256xbf16>, vector<400x256xf32> -> vector<400x256xf32>
    %add3A_378 = arith.addf %add3A_9, %dot_general3A_377 : vector<400x256xf32>
    %slice3A_379 = vector.extract_strided_slice %add3A_378 {offsets = [0, 0], sizes = [400, 128], strides = [1, 1]} : vector<400x256xf32> to vector<400x128xf32>
    %slice3A_380 = vector.extract_strided_slice %add3A_378 {offsets = [0, 128], sizes = [400, 128], strides = [1, 1]} : vector<400x256xf32> to vector<400x128xf32>
    %max3A_381 = arith.constant 0.000000e+00 : f32
    %max3A_382 = vector.broadcast %max3A_381 : f32 to vector<400x128xf32>
    %max3A_383 = arith.maximumf %slice3A_380, %max3A_382 : vector<400x128xf32>
    %abs3A_384 = math.absf %slice3A_380 : vector<400x128xf32>
    %neg3A_385 = arith.constant 0.000000e+00 : f32
    %neg3A_386 = vector.broadcast %neg3A_385 : f32 to vector<400x128xf32>
    %neg3A_387 = arith.subf %neg3A_386, %abs3A_384 : vector<400x128xf32>
    %exp23A_388 = math.exp2 %neg3A_387 : vector<400x128xf32>
    %add3A_389 = arith.constant 1.000000e+00 : f32
    %add3A_390 = vector.broadcast %add3A_389 : f32 to vector<400x128xf32>
    %add3A_391 = arith.addf %add3A_390, %exp23A_388 : vector<400x128xf32>
    %log3A_392 = math.log %add3A_391 : vector<400x128xf32>
    %log3A_393 = arith.constant 2.000000e+00 : f32
    %log3A_394 = math.log %log3A_393 : f32
    %div3A_395 = vector.broadcast %log3A_394 : f32 to vector<400x128xf32>
    %div3A_396 = arith.divf %log3A_392, %div3A_395 : vector<400x128xf32>
    %add3A_397 = arith.addf %max3A_383, %div3A_396 : vector<400x128xf32>
    %tanh3A_398 = math.tanh %slice3A_379 : vector<400x128xf32>
    %add3A_399 = arith.constant 1.000000e+00 : f32
    %add3A_400 = vector.broadcast %add3A_399 : f32 to vector<400x128xf32>
    %add3A_401 = arith.addf %add3A_400, %tanh3A_398 : vector<400x128xf32>
    %mul3A_402 = arith.mulf %add3A_401, %add3A_397 : vector<400x128xf32>
    %add3A_403 = arith.addf %add3A_367, %mul3A_402 : vector<400x128xf32>
    %get3A_404 = arith.constant 11 : index
    %get3A_405 = arith.constant 0 : index
    %get3A_406 = arith.constant 0 : index
    %get3A_407 = vector.load %arg1[%get3A_404, %get3A_405, %get3A_406] : memref<32x400x128xf32, #tpu.memory_space<vmem>>, vector<1x400x128xf32>
    %get3A_408 = vector.shape_cast %get3A_407 : vector<1x400x128xf32> to vector<400x128xf32>
    %convert_element_type3A_409 = arith.truncf %get3A_408 : vector<400x128xf32> to vector<400x128xbf16>
    %slice3A_410 = vector.extract_strided_slice %convert_element_type3A_16 {offsets = [0, 176], sizes = [400, 16], strides = [1, 1]} : vector<400x512xbf16> to vector<400x16xbf16>
    %concatenate3A_411 = tpu.concatenate %convert_element_type3A_409, %slice3A_410 in 1 : vector<400x128xbf16>, vector<400x16xbf16> -> vector<400x144xbf16>
    %dot_general3A_412 = arith.constant dense<0.000000e+00> : vector<400x256xf32>
    %dot_general3A_413 = tpu.matmul %concatenate3A_411, %get3A_12, %dot_general3A_412 {dimension_numbers = #tpu.dot_dimension_numbers<[1], [0], [0], [1], [0, 0, 1, 1], [], []>, transpose_lhs_hint = false} : vector<400x144xbf16>, vector<144x256xbf16>, vector<400x256xf32> -> vector<400x256xf32>
    %add3A_414 = arith.addf %add3A_9, %dot_general3A_413 : vector<400x256xf32>
    %slice3A_415 = vector.extract_strided_slice %add3A_414 {offsets = [0, 0], sizes = [400, 128], strides = [1, 1]} : vector<400x256xf32> to vector<400x128xf32>
    %slice3A_416 = vector.extract_strided_slice %add3A_414 {offsets = [0, 128], sizes = [400, 128], strides = [1, 1]} : vector<400x256xf32> to vector<400x128xf32>
    %max3A_417 = arith.constant 0.000000e+00 : f32
    %max3A_418 = vector.broadcast %max3A_417 : f32 to vector<400x128xf32>
    %max3A_419 = arith.maximumf %slice3A_416, %max3A_418 : vector<400x128xf32>
    %abs3A_420 = math.absf %slice3A_416 : vector<400x128xf32>
    %neg3A_421 = arith.constant 0.000000e+00 : f32
    %neg3A_422 = vector.broadcast %neg3A_421 : f32 to vector<400x128xf32>
    %neg3A_423 = arith.subf %neg3A_422, %abs3A_420 : vector<400x128xf32>
    %exp23A_424 = math.exp2 %neg3A_423 : vector<400x128xf32>
    %add3A_425 = arith.constant 1.000000e+00 : f32
    %add3A_426 = vector.broadcast %add3A_425 : f32 to vector<400x128xf32>
    %add3A_427 = arith.addf %add3A_426, %exp23A_424 : vector<400x128xf32>
    %log3A_428 = math.log %add3A_427 : vector<400x128xf32>
    %log3A_429 = arith.constant 2.000000e+00 : f32
    %log3A_430 = math.log %log3A_429 : f32
    %div3A_431 = vector.broadcast %log3A_430 : f32 to vector<400x128xf32>
    %div3A_432 = arith.divf %log3A_428, %div3A_431 : vector<400x128xf32>
    %add3A_433 = arith.addf %max3A_419, %div3A_432 : vector<400x128xf32>
    %tanh3A_434 = math.tanh %slice3A_415 : vector<400x128xf32>
    %add3A_435 = arith.constant 1.000000e+00 : f32
    %add3A_436 = vector.broadcast %add3A_435 : f32 to vector<400x128xf32>
    %add3A_437 = arith.addf %add3A_436, %tanh3A_434 : vector<400x128xf32>
    %mul3A_438 = arith.mulf %add3A_437, %add3A_433 : vector<400x128xf32>
    %add3A_439 = arith.addf %add3A_403, %mul3A_438 : vector<400x128xf32>
    %get3A_440 = arith.constant 12 : index
    %get3A_441 = arith.constant 0 : index
    %get3A_442 = arith.constant 0 : index
    %get3A_443 = vector.load %arg1[%get3A_440, %get3A_441, %get3A_442] : memref<32x400x128xf32, #tpu.memory_space<vmem>>, vector<1x400x128xf32>
    %get3A_444 = vector.shape_cast %get3A_443 : vector<1x400x128xf32> to vector<400x128xf32>
    %convert_element_type3A_445 = arith.truncf %get3A_444 : vector<400x128xf32> to vector<400x128xbf16>
    %slice3A_446 = vector.extract_strided_slice %convert_element_type3A_16 {offsets = [0, 192], sizes = [400, 16], strides = [1, 1]} : vector<400x512xbf16> to vector<400x16xbf16>
    %concatenate3A_447 = tpu.concatenate %convert_element_type3A_445, %slice3A_446 in 1 : vector<400x128xbf16>, vector<400x16xbf16> -> vector<400x144xbf16>
    %dot_general3A_448 = arith.constant dense<0.000000e+00> : vector<400x256xf32>
    %dot_general3A_449 = tpu.matmul %concatenate3A_447, %get3A_12, %dot_general3A_448 {dimension_numbers = #tpu.dot_dimension_numbers<[1], [0], [0], [1], [0, 0, 1, 1], [], []>, transpose_lhs_hint = false} : vector<400x144xbf16>, vector<144x256xbf16>, vector<400x256xf32> -> vector<400x256xf32>
    %add3A_450 = arith.addf %add3A_9, %dot_general3A_449 : vector<400x256xf32>
    %slice3A_451 = vector.extract_strided_slice %add3A_450 {offsets = [0, 0], sizes = [400, 128], strides = [1, 1]} : vector<400x256xf32> to vector<400x128xf32>
    %slice3A_452 = vector.extract_strided_slice %add3A_450 {offsets = [0, 128], sizes = [400, 128], strides = [1, 1]} : vector<400x256xf32> to vector<400x128xf32>
    %max3A_453 = arith.constant 0.000000e+00 : f32
    %max3A_454 = vector.broadcast %max3A_453 : f32 to vector<400x128xf32>
    %max3A_455 = arith.maximumf %slice3A_452, %max3A_454 : vector<400x128xf32>
    %abs3A_456 = math.absf %slice3A_452 : vector<400x128xf32>
    %neg3A_457 = arith.constant 0.000000e+00 : f32
    %neg3A_458 = vector.broadcast %neg3A_457 : f32 to vector<400x128xf32>
    %neg3A_459 = arith.subf %neg3A_458, %abs3A_456 : vector<400x128xf32>
    %exp23A_460 = math.exp2 %neg3A_459 : vector<400x128xf32>
    %add3A_461 = arith.constant 1.000000e+00 : f32
    %add3A_462 = vector.broadcast %add3A_461 : f32 to vector<400x128xf32>
    %add3A_463 = arith.addf %add3A_462, %exp23A_460 : vector<400x128xf32>
    %log3A_464 = math.log %add3A_463 : vector<400x128xf32>
    %log3A_465 = arith.constant 2.000000e+00 : f32
    %log3A_466 = math.log %log3A_465 : f32
    %div3A_467 = vector.broadcast %log3A_466 : f32 to vector<400x128xf32>
    %div3A_468 = arith.divf %log3A_464, %div3A_467 : vector<400x128xf32>
    %add3A_469 = arith.addf %max3A_455, %div3A_468 : vector<400x128xf32>
    %tanh3A_470 = math.tanh %slice3A_451 : vector<400x128xf32>
    %add3A_471 = arith.constant 1.000000e+00 : f32
    %add3A_472 = vector.broadcast %add3A_471 : f32 to vector<400x128xf32>
    %add3A_473 = arith.addf %add3A_472, %tanh3A_470 : vector<400x128xf32>
    %mul3A_474 = arith.mulf %add3A_473, %add3A_469 : vector<400x128xf32>
    %add3A_475 = arith.addf %add3A_439, %mul3A_474 : vector<400x128xf32>
    %get3A_476 = arith.constant 13 : index
    %get3A_477 = arith.constant 0 : index
    %get3A_478 = arith.constant 0 : index
    %get3A_479 = vector.load %arg1[%get3A_476, %get3A_477, %get3A_478] : memref<32x400x128xf32, #tpu.memory_space<vmem>>, vector<1x400x128xf32>
    %get3A_480 = vector.shape_cast %get3A_479 : vector<1x400x128xf32> to vector<400x128xf32>
    %convert_element_type3A_481 = arith.truncf %get3A_480 : vector<400x128xf32> to vector<400x128xbf16>
    %slice3A_482 = vector.extract_strided_slice %convert_element_type3A_16 {offsets = [0, 208], sizes = [400, 16], strides = [1, 1]} : vector<400x512xbf16> to vector<400x16xbf16>
    %concatenate3A_483 = tpu.concatenate %convert_element_type3A_481, %slice3A_482 in 1 : vector<400x128xbf16>, vector<400x16xbf16> -> vector<400x144xbf16>
    %dot_general3A_484 = arith.constant dense<0.000000e+00> : vector<400x256xf32>
    %dot_general3A_485 = tpu.matmul %concatenate3A_483, %get3A_12, %dot_general3A_484 {dimension_numbers = #tpu.dot_dimension_numbers<[1], [0], [0], [1], [0, 0, 1, 1], [], []>, transpose_lhs_hint = false} : vector<400x144xbf16>, vector<144x256xbf16>, vector<400x256xf32> -> vector<400x256xf32>
    %add3A_486 = arith.addf %add3A_9, %dot_general3A_485 : vector<400x256xf32>
    %slice3A_487 = vector.extract_strided_slice %add3A_486 {offsets = [0, 0], sizes = [400, 128], strides = [1, 1]} : vector<400x256xf32> to vector<400x128xf32>
    %slice3A_488 = vector.extract_strided_slice %add3A_486 {offsets = [0, 128], sizes = [400, 128], strides = [1, 1]} : vector<400x256xf32> to vector<400x128xf32>
    %max3A_489 = arith.constant 0.000000e+00 : f32
    %max3A_490 = vector.broadcast %max3A_489 : f32 to vector<400x128xf32>
    %max3A_491 = arith.maximumf %slice3A_488, %max3A_490 : vector<400x128xf32>
    %abs3A_492 = math.absf %slice3A_488 : vector<400x128xf32>
    %neg3A_493 = arith.constant 0.000000e+00 : f32
    %neg3A_494 = vector.broadcast %neg3A_493 : f32 to vector<400x128xf32>
    %neg3A_495 = arith.subf %neg3A_494, %abs3A_492 : vector<400x128xf32>
    %exp23A_496 = math.exp2 %neg3A_495 : vector<400x128xf32>
    %add3A_497 = arith.constant 1.000000e+00 : f32
    %add3A_498 = vector.broadcast %add3A_497 : f32 to vector<400x128xf32>
    %add3A_499 = arith.addf %add3A_498, %exp23A_496 : vector<400x128xf32>
    %log3A_500 = math.log %add3A_499 : vector<400x128xf32>
    %log3A_501 = arith.constant 2.000000e+00 : f32
    %log3A_502 = math.log %log3A_501 : f32
    %div3A_503 = vector.broadcast %log3A_502 : f32 to vector<400x128xf32>
    %div3A_504 = arith.divf %log3A_500, %div3A_503 : vector<400x128xf32>
    %add3A_505 = arith.addf %max3A_491, %div3A_504 : vector<400x128xf32>
    %tanh3A_506 = math.tanh %slice3A_487 : vector<400x128xf32>
    %add3A_507 = arith.constant 1.000000e+00 : f32
    %add3A_508 = vector.broadcast %add3A_507 : f32 to vector<400x128xf32>
    %add3A_509 = arith.addf %add3A_508, %tanh3A_506 : vector<400x128xf32>
    %mul3A_510 = arith.mulf %add3A_509, %add3A_505 : vector<400x128xf32>
    %add3A_511 = arith.addf %add3A_475, %mul3A_510 : vector<400x128xf32>
    %get3A_512 = arith.constant 14 : index
    %get3A_513 = arith.constant 0 : index
    %get3A_514 = arith.constant 0 : index
    %get3A_515 = vector.load %arg1[%get3A_512, %get3A_513, %get3A_514] : memref<32x400x128xf32, #tpu.memory_space<vmem>>, vector<1x400x128xf32>
    %get3A_516 = vector.shape_cast %get3A_515 : vector<1x400x128xf32> to vector<400x128xf32>
    %convert_element_type3A_517 = arith.truncf %get3A_516 : vector<400x128xf32> to vector<400x128xbf16>
    %slice3A_518 = vector.extract_strided_slice %convert_element_type3A_16 {offsets = [0, 224], sizes = [400, 16], strides = [1, 1]} : vector<400x512xbf16> to vector<400x16xbf16>
    %concatenate3A_519 = tpu.concatenate %convert_element_type3A_517, %slice3A_518 in 1 : vector<400x128xbf16>, vector<400x16xbf16> -> vector<400x144xbf16>
    %dot_general3A_520 = arith.constant dense<0.000000e+00> : vector<400x256xf32>
    %dot_general3A_521 = tpu.matmul %concatenate3A_519, %get3A_12, %dot_general3A_520 {dimension_numbers = #tpu.dot_dimension_numbers<[1], [0], [0], [1], [0, 0, 1, 1], [], []>, transpose_lhs_hint = false} : vector<400x144xbf16>, vector<144x256xbf16>, vector<400x256xf32> -> vector<400x256xf32>
    %add3A_522 = arith.addf %add3A_9, %dot_general3A_521 : vector<400x256xf32>
    %slice3A_523 = vector.extract_strided_slice %add3A_522 {offsets = [0, 0], sizes = [400, 128], strides = [1, 1]} : vector<400x256xf32> to vector<400x128xf32>
    %slice3A_524 = vector.extract_strided_slice %add3A_522 {offsets = [0, 128], sizes = [400, 128], strides = [1, 1]} : vector<400x256xf32> to vector<400x128xf32>
    %max3A_525 = arith.constant 0.000000e+00 : f32
    %max3A_526 = vector.broadcast %max3A_525 : f32 to vector<400x128xf32>
    %max3A_527 = arith.maximumf %slice3A_524, %max3A_526 : vector<400x128xf32>
    %abs3A_528 = math.absf %slice3A_524 : vector<400x128xf32>
    %neg3A_529 = arith.constant 0.000000e+00 : f32
    %neg3A_530 = vector.broadcast %neg3A_529 : f32 to vector<400x128xf32>
    %neg3A_531 = arith.subf %neg3A_530, %abs3A_528 : vector<400x128xf32>
    %exp23A_532 = math.exp2 %neg3A_531 : vector<400x128xf32>
    %add3A_533 = arith.constant 1.000000e+00 : f32
    %add3A_534 = vector.broadcast %add3A_533 : f32 to vector<400x128xf32>
    %add3A_535 = arith.addf %add3A_534, %exp23A_532 : vector<400x128xf32>
    %log3A_536 = math.log %add3A_535 : vector<400x128xf32>
    %log3A_537 = arith.constant 2.000000e+00 : f32
    %log3A_538 = math.log %log3A_537 : f32
    %div3A_539 = vector.broadcast %log3A_538 : f32 to vector<400x128xf32>
    %div3A_540 = arith.divf %log3A_536, %div3A_539 : vector<400x128xf32>
    %add3A_541 = arith.addf %max3A_527, %div3A_540 : vector<400x128xf32>
    %tanh3A_542 = math.tanh %slice3A_523 : vector<400x128xf32>
    %add3A_543 = arith.constant 1.000000e+00 : f32
    %add3A_544 = vector.broadcast %add3A_543 : f32 to vector<400x128xf32>
    %add3A_545 = arith.addf %add3A_544, %tanh3A_542 : vector<400x128xf32>
    %mul3A_546 = arith.mulf %add3A_545, %add3A_541 : vector<400x128xf32>
    %add3A_547 = arith.addf %add3A_511, %mul3A_546 : vector<400x128xf32>
    %get3A_548 = arith.constant 15 : index
    %get3A_549 = arith.constant 0 : index
    %get3A_550 = arith.constant 0 : index
    %get3A_551 = vector.load %arg1[%get3A_548, %get3A_549, %get3A_550] : memref<32x400x128xf32, #tpu.memory_space<vmem>>, vector<1x400x128xf32>
    %get3A_552 = vector.shape_cast %get3A_551 : vector<1x400x128xf32> to vector<400x128xf32>
    %convert_element_type3A_553 = arith.truncf %get3A_552 : vector<400x128xf32> to vector<400x128xbf16>
    %slice3A_554 = vector.extract_strided_slice %convert_element_type3A_16 {offsets = [0, 240], sizes = [400, 16], strides = [1, 1]} : vector<400x512xbf16> to vector<400x16xbf16>
    %concatenate3A_555 = tpu.concatenate %convert_element_type3A_553, %slice3A_554 in 1 : vector<400x128xbf16>, vector<400x16xbf16> -> vector<400x144xbf16>
    %dot_general3A_556 = arith.constant dense<0.000000e+00> : vector<400x256xf32>
    %dot_general3A_557 = tpu.matmul %concatenate3A_555, %get3A_12, %dot_general3A_556 {dimension_numbers = #tpu.dot_dimension_numbers<[1], [0], [0], [1], [0, 0, 1, 1], [], []>, transpose_lhs_hint = false} : vector<400x144xbf16>, vector<144x256xbf16>, vector<400x256xf32> -> vector<400x256xf32>
    %add3A_558 = arith.addf %add3A_9, %dot_general3A_557 : vector<400x256xf32>
    %slice3A_559 = vector.extract_strided_slice %add3A_558 {offsets = [0, 0], sizes = [400, 128], strides = [1, 1]} : vector<400x256xf32> to vector<400x128xf32>
    %slice3A_560 = vector.extract_strided_slice %add3A_558 {offsets = [0, 128], sizes = [400, 128], strides = [1, 1]} : vector<400x256xf32> to vector<400x128xf32>
    %max3A_561 = arith.constant 0.000000e+00 : f32
    %max3A_562 = vector.broadcast %max3A_561 : f32 to vector<400x128xf32>
    %max3A_563 = arith.maximumf %slice3A_560, %max3A_562 : vector<400x128xf32>
    %abs3A_564 = math.absf %slice3A_560 : vector<400x128xf32>
    %neg3A_565 = arith.constant 0.000000e+00 : f32
    %neg3A_566 = vector.broadcast %neg3A_565 : f32 to vector<400x128xf32>
    %neg3A_567 = arith.subf %neg3A_566, %abs3A_564 : vector<400x128xf32>
    %exp23A_568 = math.exp2 %neg3A_567 : vector<400x128xf32>
    %add3A_569 = arith.constant 1.000000e+00 : f32
    %add3A_570 = vector.broadcast %add3A_569 : f32 to vector<400x128xf32>
    %add3A_571 = arith.addf %add3A_570, %exp23A_568 : vector<400x128xf32>
    %log3A_572 = math.log %add3A_571 : vector<400x128xf32>
    %log3A_573 = arith.constant 2.000000e+00 : f32
    %log3A_574 = math.log %log3A_573 : f32
    %div3A_575 = vector.broadcast %log3A_574 : f32 to vector<400x128xf32>
    %div3A_576 = arith.divf %log3A_572, %div3A_575 : vector<400x128xf32>
    %add3A_577 = arith.addf %max3A_563, %div3A_576 : vector<400x128xf32>
    %tanh3A_578 = math.tanh %slice3A_559 : vector<400x128xf32>
    %add3A_579 = arith.constant 1.000000e+00 : f32
    %add3A_580 = vector.broadcast %add3A_579 : f32 to vector<400x128xf32>
    %add3A_581 = arith.addf %add3A_580, %tanh3A_578 : vector<400x128xf32>
    %mul3A_582 = arith.mulf %add3A_581, %add3A_577 : vector<400x128xf32>
    %add3A_583 = arith.addf %add3A_547, %mul3A_582 : vector<400x128xf32>
    %get3A_584 = arith.constant 16 : index
    %get3A_585 = arith.constant 0 : index
    %get3A_586 = arith.constant 0 : index
    %get3A_587 = vector.load %arg1[%get3A_584, %get3A_585, %get3A_586] : memref<32x400x128xf32, #tpu.memory_space<vmem>>, vector<1x400x128xf32>
    %get3A_588 = vector.shape_cast %get3A_587 : vector<1x400x128xf32> to vector<400x128xf32>
    %convert_element_type3A_589 = arith.truncf %get3A_588 : vector<400x128xf32> to vector<400x128xbf16>
    %slice3A_590 = vector.extract_strided_slice %convert_element_type3A_16 {offsets = [0, 256], sizes = [400, 16], strides = [1, 1]} : vector<400x512xbf16> to vector<400x16xbf16>
    %concatenate3A_591 = tpu.concatenate %convert_element_type3A_589, %slice3A_590 in 1 : vector<400x128xbf16>, vector<400x16xbf16> -> vector<400x144xbf16>
    %dot_general3A_592 = arith.constant dense<0.000000e+00> : vector<400x256xf32>
    %dot_general3A_593 = tpu.matmul %concatenate3A_591, %get3A_12, %dot_general3A_592 {dimension_numbers = #tpu.dot_dimension_numbers<[1], [0], [0], [1], [0, 0, 1, 1], [], []>, transpose_lhs_hint = false} : vector<400x144xbf16>, vector<144x256xbf16>, vector<400x256xf32> -> vector<400x256xf32>
    %add3A_594 = arith.addf %add3A_9, %dot_general3A_593 : vector<400x256xf32>
    %slice3A_595 = vector.extract_strided_slice %add3A_594 {offsets = [0, 0], sizes = [400, 128], strides = [1, 1]} : vector<400x256xf32> to vector<400x128xf32>
    %slice3A_596 = vector.extract_strided_slice %add3A_594 {offsets = [0, 128], sizes = [400, 128], strides = [1, 1]} : vector<400x256xf32> to vector<400x128xf32>
    %max3A_597 = arith.constant 0.000000e+00 : f32
    %max3A_598 = vector.broadcast %max3A_597 : f32 to vector<400x128xf32>
    %max3A_599 = arith.maximumf %slice3A_596, %max3A_598 : vector<400x128xf32>
    %abs3A_600 = math.absf %slice3A_596 : vector<400x128xf32>
    %neg3A_601 = arith.constant 0.000000e+00 : f32
    %neg3A_602 = vector.broadcast %neg3A_601 : f32 to vector<400x128xf32>
    %neg3A_603 = arith.subf %neg3A_602, %abs3A_600 : vector<400x128xf32>
    %exp23A_604 = math.exp2 %neg3A_603 : vector<400x128xf32>
    %add3A_605 = arith.constant 1.000000e+00 : f32
    %add3A_606 = vector.broadcast %add3A_605 : f32 to vector<400x128xf32>
    %add3A_607 = arith.addf %add3A_606, %exp23A_604 : vector<400x128xf32>
    %log3A_608 = math.log %add3A_607 : vector<400x128xf32>
    %log3A_609 = arith.constant 2.000000e+00 : f32
    %log3A_610 = math.log %log3A_609 : f32
    %div3A_611 = vector.broadcast %log3A_610 : f32 to vector<400x128xf32>
    %div3A_612 = arith.divf %log3A_608, %div3A_611 : vector<400x128xf32>
    %add3A_613 = arith.addf %max3A_599, %div3A_612 : vector<400x128xf32>
    %tanh3A_614 = math.tanh %slice3A_595 : vector<400x128xf32>
    %add3A_615 = arith.constant 1.000000e+00 : f32
    %add3A_616 = vector.broadcast %add3A_615 : f32 to vector<400x128xf32>
    %add3A_617 = arith.addf %add3A_616, %tanh3A_614 : vector<400x128xf32>
    %mul3A_618 = arith.mulf %add3A_617, %add3A_613 : vector<400x128xf32>
    %add3A_619 = arith.addf %add3A_583, %mul3A_618 : vector<400x128xf32>
    %get3A_620 = arith.constant 17 : index
    %get3A_621 = arith.constant 0 : index
    %get3A_622 = arith.constant 0 : index
    %get3A_623 = vector.load %arg1[%get3A_620, %get3A_621, %get3A_622] : memref<32x400x128xf32, #tpu.memory_space<vmem>>, vector<1x400x128xf32>
    %get3A_624 = vector.shape_cast %get3A_623 : vector<1x400x128xf32> to vector<400x128xf32>
    %convert_element_type3A_625 = arith.truncf %get3A_624 : vector<400x128xf32> to vector<400x128xbf16>
    %slice3A_626 = vector.extract_strided_slice %convert_element_type3A_16 {offsets = [0, 272], sizes = [400, 16], strides = [1, 1]} : vector<400x512xbf16> to vector<400x16xbf16>
    %concatenate3A_627 = tpu.concatenate %convert_element_type3A_625, %slice3A_626 in 1 : vector<400x128xbf16>, vector<400x16xbf16> -> vector<400x144xbf16>
    %dot_general3A_628 = arith.constant dense<0.000000e+00> : vector<400x256xf32>
    %dot_general3A_629 = tpu.matmul %concatenate3A_627, %get3A_12, %dot_general3A_628 {dimension_numbers = #tpu.dot_dimension_numbers<[1], [0], [0], [1], [0, 0, 1, 1], [], []>, transpose_lhs_hint = false} : vector<400x144xbf16>, vector<144x256xbf16>, vector<400x256xf32> -> vector<400x256xf32>
    %add3A_630 = arith.addf %add3A_9, %dot_general3A_629 : vector<400x256xf32>
    %slice3A_631 = vector.extract_strided_slice %add3A_630 {offsets = [0, 0], sizes = [400, 128], strides = [1, 1]} : vector<400x256xf32> to vector<400x128xf32>
    %slice3A_632 = vector.extract_strided_slice %add3A_630 {offsets = [0, 128], sizes = [400, 128], strides = [1, 1]} : vector<400x256xf32> to vector<400x128xf32>
    %max3A_633 = arith.constant 0.000000e+00 : f32
    %max3A_634 = vector.broadcast %max3A_633 : f32 to vector<400x128xf32>
    %max3A_635 = arith.maximumf %slice3A_632, %max3A_634 : vector<400x128xf32>
    %abs3A_636 = math.absf %slice3A_632 : vector<400x128xf32>
    %neg3A_637 = arith.constant 0.000000e+00 : f32
    %neg3A_638 = vector.broadcast %neg3A_637 : f32 to vector<400x128xf32>
    %neg3A_639 = arith.subf %neg3A_638, %abs3A_636 : vector<400x128xf32>
    %exp23A_640 = math.exp2 %neg3A_639 : vector<400x128xf32>
    %add3A_641 = arith.constant 1.000000e+00 : f32
    %add3A_642 = vector.broadcast %add3A_641 : f32 to vector<400x128xf32>
    %add3A_643 = arith.addf %add3A_642, %exp23A_640 : vector<400x128xf32>
    %log3A_644 = math.log %add3A_643 : vector<400x128xf32>
    %log3A_645 = arith.constant 2.000000e+00 : f32
    %log3A_646 = math.log %log3A_645 : f32
    %div3A_647 = vector.broadcast %log3A_646 : f32 to vector<400x128xf32>
    %div3A_648 = arith.divf %log3A_644, %div3A_647 : vector<400x128xf32>
    %add3A_649 = arith.addf %max3A_635, %div3A_648 : vector<400x128xf32>
    %tanh3A_650 = math.tanh %slice3A_631 : vector<400x128xf32>
    %add3A_651 = arith.constant 1.000000e+00 : f32
    %add3A_652 = vector.broadcast %add3A_651 : f32 to vector<400x128xf32>
    %add3A_653 = arith.addf %add3A_652, %tanh3A_650 : vector<400x128xf32>
    %mul3A_654 = arith.mulf %add3A_653, %add3A_649 : vector<400x128xf32>
    %add3A_655 = arith.addf %add3A_619, %mul3A_654 : vector<400x128xf32>
    %get3A_656 = arith.constant 18 : index
    %get3A_657 = arith.constant 0 : index
    %get3A_658 = arith.constant 0 : index
    %get3A_659 = vector.load %arg1[%get3A_656, %get3A_657, %get3A_658] : memref<32x400x128xf32, #tpu.memory_space<vmem>>, vector<1x400x128xf32>
    %get3A_660 = vector.shape_cast %get3A_659 : vector<1x400x128xf32> to vector<400x128xf32>
    %convert_element_type3A_661 = arith.truncf %get3A_660 : vector<400x128xf32> to vector<400x128xbf16>
    %slice3A_662 = vector.extract_strided_slice %convert_element_type3A_16 {offsets = [0, 288], sizes = [400, 16], strides = [1, 1]} : vector<400x512xbf16> to vector<400x16xbf16>
    %concatenate3A_663 = tpu.concatenate %convert_element_type3A_661, %slice3A_662 in 1 : vector<400x128xbf16>, vector<400x16xbf16> -> vector<400x144xbf16>
    %dot_general3A_664 = arith.constant dense<0.000000e+00> : vector<400x256xf32>
    %dot_general3A_665 = tpu.matmul %concatenate3A_663, %get3A_12, %dot_general3A_664 {dimension_numbers = #tpu.dot_dimension_numbers<[1], [0], [0], [1], [0, 0, 1, 1], [], []>, transpose_lhs_hint = false} : vector<400x144xbf16>, vector<144x256xbf16>, vector<400x256xf32> -> vector<400x256xf32>
    %add3A_666 = arith.addf %add3A_9, %dot_general3A_665 : vector<400x256xf32>
    %slice3A_667 = vector.extract_strided_slice %add3A_666 {offsets = [0, 0], sizes = [400, 128], strides = [1, 1]} : vector<400x256xf32> to vector<400x128xf32>
    %slice3A_668 = vector.extract_strided_slice %add3A_666 {offsets = [0, 128], sizes = [400, 128], strides = [1, 1]} : vector<400x256xf32> to vector<400x128xf32>
    %max3A_669 = arith.constant 0.000000e+00 : f32
    %max3A_670 = vector.broadcast %max3A_669 : f32 to vector<400x128xf32>
    %max3A_671 = arith.maximumf %slice3A_668, %max3A_670 : vector<400x128xf32>
    %abs3A_672 = math.absf %slice3A_668 : vector<400x128xf32>
    %neg3A_673 = arith.constant 0.000000e+00 : f32
    %neg3A_674 = vector.broadcast %neg3A_673 : f32 to vector<400x128xf32>
    %neg3A_675 = arith.subf %neg3A_674, %abs3A_672 : vector<400x128xf32>
    %exp23A_676 = math.exp2 %neg3A_675 : vector<400x128xf32>
    %add3A_677 = arith.constant 1.000000e+00 : f32
    %add3A_678 = vector.broadcast %add3A_677 : f32 to vector<400x128xf32>
    %add3A_679 = arith.addf %add3A_678, %exp23A_676 : vector<400x128xf32>
    %log3A_680 = math.log %add3A_679 : vector<400x128xf32>
    %log3A_681 = arith.constant 2.000000e+00 : f32
    %log3A_682 = math.log %log3A_681 : f32
    %div3A_683 = vector.broadcast %log3A_682 : f32 to vector<400x128xf32>
    %div3A_684 = arith.divf %log3A_680, %div3A_683 : vector<400x128xf32>
    %add3A_685 = arith.addf %max3A_671, %div3A_684 : vector<400x128xf32>
    %tanh3A_686 = math.tanh %slice3A_667 : vector<400x128xf32>
    %add3A_687 = arith.constant 1.000000e+00 : f32
    %add3A_688 = vector.broadcast %add3A_687 : f32 to vector<400x128xf32>
    %add3A_689 = arith.addf %add3A_688, %tanh3A_686 : vector<400x128xf32>
    %mul3A_690 = arith.mulf %add3A_689, %add3A_685 : vector<400x128xf32>
    %add3A_691 = arith.addf %add3A_655, %mul3A_690 : vector<400x128xf32>
    %get3A_692 = arith.constant 19 : index
    %get3A_693 = arith.constant 0 : index
    %get3A_694 = arith.constant 0 : index
    %get3A_695 = vector.load %arg1[%get3A_692, %get3A_693, %get3A_694] : memref<32x400x128xf32, #tpu.memory_space<vmem>>, vector<1x400x128xf32>
    %get3A_696 = vector.shape_cast %get3A_695 : vector<1x400x128xf32> to vector<400x128xf32>
    %convert_element_type3A_697 = arith.truncf %get3A_696 : vector<400x128xf32> to vector<400x128xbf16>
    %slice3A_698 = vector.extract_strided_slice %convert_element_type3A_16 {offsets = [0, 304], sizes = [400, 16], strides = [1, 1]} : vector<400x512xbf16> to vector<400x16xbf16>
    %concatenate3A_699 = tpu.concatenate %convert_element_type3A_697, %slice3A_698 in 1 : vector<400x128xbf16>, vector<400x16xbf16> -> vector<400x144xbf16>
    %dot_general3A_700 = arith.constant dense<0.000000e+00> : vector<400x256xf32>
    %dot_general3A_701 = tpu.matmul %concatenate3A_699, %get3A_12, %dot_general3A_700 {dimension_numbers = #tpu.dot_dimension_numbers<[1], [0], [0], [1], [0, 0, 1, 1], [], []>, transpose_lhs_hint = false} : vector<400x144xbf16>, vector<144x256xbf16>, vector<400x256xf32> -> vector<400x256xf32>
    %add3A_702 = arith.addf %add3A_9, %dot_general3A_701 : vector<400x256xf32>
    %slice3A_703 = vector.extract_strided_slice %add3A_702 {offsets = [0, 0], sizes = [400, 128], strides = [1, 1]} : vector<400x256xf32> to vector<400x128xf32>
    %slice3A_704 = vector.extract_strided_slice %add3A_702 {offsets = [0, 128], sizes = [400, 128], strides = [1, 1]} : vector<400x256xf32> to vector<400x128xf32>
    %max3A_705 = arith.constant 0.000000e+00 : f32
    %max3A_706 = vector.broadcast %max3A_705 : f32 to vector<400x128xf32>
    %max3A_707 = arith.maximumf %slice3A_704, %max3A_706 : vector<400x128xf32>
    %abs3A_708 = math.absf %slice3A_704 : vector<400x128xf32>
    %neg3A_709 = arith.constant 0.000000e+00 : f32
    %neg3A_710 = vector.broadcast %neg3A_709 : f32 to vector<400x128xf32>
    %neg3A_711 = arith.subf %neg3A_710, %abs3A_708 : vector<400x128xf32>
    %exp23A_712 = math.exp2 %neg3A_711 : vector<400x128xf32>
    %add3A_713 = arith.constant 1.000000e+00 : f32
    %add3A_714 = vector.broadcast %add3A_713 : f32 to vector<400x128xf32>
    %add3A_715 = arith.addf %add3A_714, %exp23A_712 : vector<400x128xf32>
    %log3A_716 = math.log %add3A_715 : vector<400x128xf32>
    %log3A_717 = arith.constant 2.000000e+00 : f32
    %log3A_718 = math.log %log3A_717 : f32
    %div3A_719 = vector.broadcast %log3A_718 : f32 to vector<400x128xf32>
    %div3A_720 = arith.divf %log3A_716, %div3A_719 : vector<400x128xf32>
    %add3A_721 = arith.addf %max3A_707, %div3A_720 : vector<400x128xf32>
    %tanh3A_722 = math.tanh %slice3A_703 : vector<400x128xf32>
    %add3A_723 = arith.constant 1.000000e+00 : f32
    %add3A_724 = vector.broadcast %add3A_723 : f32 to vector<400x128xf32>
    %add3A_725 = arith.addf %add3A_724, %tanh3A_722 : vector<400x128xf32>
    %mul3A_726 = arith.mulf %add3A_725, %add3A_721 : vector<400x128xf32>
    %add3A_727 = arith.addf %add3A_691, %mul3A_726 : vector<400x128xf32>
    %get3A_728 = arith.constant 20 : index
    %get3A_729 = arith.constant 0 : index
    %get3A_730 = arith.constant 0 : index
    %get3A_731 = vector.load %arg1[%get3A_728, %get3A_729, %get3A_730] : memref<32x400x128xf32, #tpu.memory_space<vmem>>, vector<1x400x128xf32>
    %get3A_732 = vector.shape_cast %get3A_731 : vector<1x400x128xf32> to vector<400x128xf32>
    %convert_element_type3A_733 = arith.truncf %get3A_732 : vector<400x128xf32> to vector<400x128xbf16>
    %slice3A_734 = vector.extract_strided_slice %convert_element_type3A_16 {offsets = [0, 320], sizes = [400, 16], strides = [1, 1]} : vector<400x512xbf16> to vector<400x16xbf16>
    %concatenate3A_735 = tpu.concatenate %convert_element_type3A_733, %slice3A_734 in 1 : vector<400x128xbf16>, vector<400x16xbf16> -> vector<400x144xbf16>
    %dot_general3A_736 = arith.constant dense<0.000000e+00> : vector<400x256xf32>
    %dot_general3A_737 = tpu.matmul %concatenate3A_735, %get3A_12, %dot_general3A_736 {dimension_numbers = #tpu.dot_dimension_numbers<[1], [0], [0], [1], [0, 0, 1, 1], [], []>, transpose_lhs_hint = false} : vector<400x144xbf16>, vector<144x256xbf16>, vector<400x256xf32> -> vector<400x256xf32>
    %add3A_738 = arith.addf %add3A_9, %dot_general3A_737 : vector<400x256xf32>
    %slice3A_739 = vector.extract_strided_slice %add3A_738 {offsets = [0, 0], sizes = [400, 128], strides = [1, 1]} : vector<400x256xf32> to vector<400x128xf32>
    %slice3A_740 = vector.extract_strided_slice %add3A_738 {offsets = [0, 128], sizes = [400, 128], strides = [1, 1]} : vector<400x256xf32> to vector<400x128xf32>
    %max3A_741 = arith.constant 0.000000e+00 : f32
    %max3A_742 = vector.broadcast %max3A_741 : f32 to vector<400x128xf32>
    %max3A_743 = arith.maximumf %slice3A_740, %max3A_742 : vector<400x128xf32>
    %abs3A_744 = math.absf %slice3A_740 : vector<400x128xf32>
    %neg3A_745 = arith.constant 0.000000e+00 : f32
    %neg3A_746 = vector.broadcast %neg3A_745 : f32 to vector<400x128xf32>
    %neg3A_747 = arith.subf %neg3A_746, %abs3A_744 : vector<400x128xf32>
    %exp23A_748 = math.exp2 %neg3A_747 : vector<400x128xf32>
    %add3A_749 = arith.constant 1.000000e+00 : f32
    %add3A_750 = vector.broadcast %add3A_749 : f32 to vector<400x128xf32>
    %add3A_751 = arith.addf %add3A_750, %exp23A_748 : vector<400x128xf32>
    %log3A_752 = math.log %add3A_751 : vector<400x128xf32>
    %log3A_753 = arith.constant 2.000000e+00 : f32
    %log3A_754 = math.log %log3A_753 : f32
    %div3A_755 = vector.broadcast %log3A_754 : f32 to vector<400x128xf32>
    %div3A_756 = arith.divf %log3A_752, %div3A_755 : vector<400x128xf32>
    %add3A_757 = arith.addf %max3A_743, %div3A_756 : vector<400x128xf32>
    %tanh3A_758 = math.tanh %slice3A_739 : vector<400x128xf32>
    %add3A_759 = arith.constant 1.000000e+00 : f32
    %add3A_760 = vector.broadcast %add3A_759 : f32 to vector<400x128xf32>
    %add3A_761 = arith.addf %add3A_760, %tanh3A_758 : vector<400x128xf32>
    %mul3A_762 = arith.mulf %add3A_761, %add3A_757 : vector<400x128xf32>
    %add3A_763 = arith.addf %add3A_727, %mul3A_762 : vector<400x128xf32>
    %get3A_764 = arith.constant 21 : index
    %get3A_765 = arith.constant 0 : index
    %get3A_766 = arith.constant 0 : index
    %get3A_767 = vector.load %arg1[%get3A_764, %get3A_765, %get3A_766] : memref<32x400x128xf32, #tpu.memory_space<vmem>>, vector<1x400x128xf32>
    %get3A_768 = vector.shape_cast %get3A_767 : vector<1x400x128xf32> to vector<400x128xf32>
    %convert_element_type3A_769 = arith.truncf %get3A_768 : vector<400x128xf32> to vector<400x128xbf16>
    %slice3A_770 = vector.extract_strided_slice %convert_element_type3A_16 {offsets = [0, 336], sizes = [400, 16], strides = [1, 1]} : vector<400x512xbf16> to vector<400x16xbf16>
    %concatenate3A_771 = tpu.concatenate %convert_element_type3A_769, %slice3A_770 in 1 : vector<400x128xbf16>, vector<400x16xbf16> -> vector<400x144xbf16>
    %dot_general3A_772 = arith.constant dense<0.000000e+00> : vector<400x256xf32>
    %dot_general3A_773 = tpu.matmul %concatenate3A_771, %get3A_12, %dot_general3A_772 {dimension_numbers = #tpu.dot_dimension_numbers<[1], [0], [0], [1], [0, 0, 1, 1], [], []>, transpose_lhs_hint = false} : vector<400x144xbf16>, vector<144x256xbf16>, vector<400x256xf32> -> vector<400x256xf32>
    %add3A_774 = arith.addf %add3A_9, %dot_general3A_773 : vector<400x256xf32>
    %slice3A_775 = vector.extract_strided_slice %add3A_774 {offsets = [0, 0], sizes = [400, 128], strides = [1, 1]} : vector<400x256xf32> to vector<400x128xf32>
    %slice3A_776 = vector.extract_strided_slice %add3A_774 {offsets = [0, 128], sizes = [400, 128], strides = [1, 1]} : vector<400x256xf32> to vector<400x128xf32>
    %max3A_777 = arith.constant 0.000000e+00 : f32
    %max3A_778 = vector.broadcast %max3A_777 : f32 to vector<400x128xf32>
    %max3A_779 = arith.maximumf %slice3A_776, %max3A_778 : vector<400x128xf32>
    %abs3A_780 = math.absf %slice3A_776 : vector<400x128xf32>
    %neg3A_781 = arith.constant 0.000000e+00 : f32
    %neg3A_782 = vector.broadcast %neg3A_781 : f32 to vector<400x128xf32>
    %neg3A_783 = arith.subf %neg3A_782, %abs3A_780 : vector<400x128xf32>
    %exp23A_784 = math.exp2 %neg3A_783 : vector<400x128xf32>
    %add3A_785 = arith.constant 1.000000e+00 : f32
    %add3A_786 = vector.broadcast %add3A_785 : f32 to vector<400x128xf32>
    %add3A_787 = arith.addf %add3A_786, %exp23A_784 : vector<400x128xf32>
    %log3A_788 = math.log %add3A_787 : vector<400x128xf32>
    %log3A_789 = arith.constant 2.000000e+00 : f32
    %log3A_790 = math.log %log3A_789 : f32
    %div3A_791 = vector.broadcast %log3A_790 : f32 to vector<400x128xf32>
    %div3A_792 = arith.divf %log3A_788, %div3A_791 : vector<400x128xf32>
    %add3A_793 = arith.addf %max3A_779, %div3A_792 : vector<400x128xf32>
    %tanh3A_794 = math.tanh %slice3A_775 : vector<400x128xf32>
    %add3A_795 = arith.constant 1.000000e+00 : f32
    %add3A_796 = vector.broadcast %add3A_795 : f32 to vector<400x128xf32>
    %add3A_797 = arith.addf %add3A_796, %tanh3A_794 : vector<400x128xf32>
    %mul3A_798 = arith.mulf %add3A_797, %add3A_793 : vector<400x128xf32>
    %add3A_799 = arith.addf %add3A_763, %mul3A_798 : vector<400x128xf32>
    %get3A_800 = arith.constant 22 : index
    %get3A_801 = arith.constant 0 : index
    %get3A_802 = arith.constant 0 : index
    %get3A_803 = vector.load %arg1[%get3A_800, %get3A_801, %get3A_802] : memref<32x400x128xf32, #tpu.memory_space<vmem>>, vector<1x400x128xf32>
    %get3A_804 = vector.shape_cast %get3A_803 : vector<1x400x128xf32> to vector<400x128xf32>
    %convert_element_type3A_805 = arith.truncf %get3A_804 : vector<400x128xf32> to vector<400x128xbf16>
    %slice3A_806 = vector.extract_strided_slice %convert_element_type3A_16 {offsets = [0, 352], sizes = [400, 16], strides = [1, 1]} : vector<400x512xbf16> to vector<400x16xbf16>
    %concatenate3A_807 = tpu.concatenate %convert_element_type3A_805, %slice3A_806 in 1 : vector<400x128xbf16>, vector<400x16xbf16> -> vector<400x144xbf16>
    %dot_general3A_808 = arith.constant dense<0.000000e+00> : vector<400x256xf32>
    %dot_general3A_809 = tpu.matmul %concatenate3A_807, %get3A_12, %dot_general3A_808 {dimension_numbers = #tpu.dot_dimension_numbers<[1], [0], [0], [1], [0, 0, 1, 1], [], []>, transpose_lhs_hint = false} : vector<400x144xbf16>, vector<144x256xbf16>, vector<400x256xf32> -> vector<400x256xf32>
    %add3A_810 = arith.addf %add3A_9, %dot_general3A_809 : vector<400x256xf32>
    %slice3A_811 = vector.extract_strided_slice %add3A_810 {offsets = [0, 0], sizes = [400, 128], strides = [1, 1]} : vector<400x256xf32> to vector<400x128xf32>
    %slice3A_812 = vector.extract_strided_slice %add3A_810 {offsets = [0, 128], sizes = [400, 128], strides = [1, 1]} : vector<400x256xf32> to vector<400x128xf32>
    %max3A_813 = arith.constant 0.000000e+00 : f32
    %max3A_814 = vector.broadcast %max3A_813 : f32 to vector<400x128xf32>
    %max3A_815 = arith.maximumf %slice3A_812, %max3A_814 : vector<400x128xf32>
    %abs3A_816 = math.absf %slice3A_812 : vector<400x128xf32>
    %neg3A_817 = arith.constant 0.000000e+00 : f32
    %neg3A_818 = vector.broadcast %neg3A_817 : f32 to vector<400x128xf32>
    %neg3A_819 = arith.subf %neg3A_818, %abs3A_816 : vector<400x128xf32>
    %exp23A_820 = math.exp2 %neg3A_819 : vector<400x128xf32>
    %add3A_821 = arith.constant 1.000000e+00 : f32
    %add3A_822 = vector.broadcast %add3A_821 : f32 to vector<400x128xf32>
    %add3A_823 = arith.addf %add3A_822, %exp23A_820 : vector<400x128xf32>
    %log3A_824 = math.log %add3A_823 : vector<400x128xf32>
    %log3A_825 = arith.constant 2.000000e+00 : f32
    %log3A_826 = math.log %log3A_825 : f32
    %div3A_827 = vector.broadcast %log3A_826 : f32 to vector<400x128xf32>
    %div3A_828 = arith.divf %log3A_824, %div3A_827 : vector<400x128xf32>
    %add3A_829 = arith.addf %max3A_815, %div3A_828 : vector<400x128xf32>
    %tanh3A_830 = math.tanh %slice3A_811 : vector<400x128xf32>
    %add3A_831 = arith.constant 1.000000e+00 : f32
    %add3A_832 = vector.broadcast %add3A_831 : f32 to vector<400x128xf32>
    %add3A_833 = arith.addf %add3A_832, %tanh3A_830 : vector<400x128xf32>
    %mul3A_834 = arith.mulf %add3A_833, %add3A_829 : vector<400x128xf32>
    %add3A_835 = arith.addf %add3A_799, %mul3A_834 : vector<400x128xf32>
    %get3A_836 = arith.constant 23 : index
    %get3A_837 = arith.constant 0 : index
    %get3A_838 = arith.constant 0 : index
    %get3A_839 = vector.load %arg1[%get3A_836, %get3A_837, %get3A_838] : memref<32x400x128xf32, #tpu.memory_space<vmem>>, vector<1x400x128xf32>
    %get3A_840 = vector.shape_cast %get3A_839 : vector<1x400x128xf32> to vector<400x128xf32>
    %convert_element_type3A_841 = arith.truncf %get3A_840 : vector<400x128xf32> to vector<400x128xbf16>
    %slice3A_842 = vector.extract_strided_slice %convert_element_type3A_16 {offsets = [0, 368], sizes = [400, 16], strides = [1, 1]} : vector<400x512xbf16> to vector<400x16xbf16>
    %concatenate3A_843 = tpu.concatenate %convert_element_type3A_841, %slice3A_842 in 1 : vector<400x128xbf16>, vector<400x16xbf16> -> vector<400x144xbf16>
    %dot_general3A_844 = arith.constant dense<0.000000e+00> : vector<400x256xf32>
    %dot_general3A_845 = tpu.matmul %concatenate3A_843, %get3A_12, %dot_general3A_844 {dimension_numbers = #tpu.dot_dimension_numbers<[1], [0], [0], [1], [0, 0, 1, 1], [], []>, transpose_lhs_hint = false} : vector<400x144xbf16>, vector<144x256xbf16>, vector<400x256xf32> -> vector<400x256xf32>
    %add3A_846 = arith.addf %add3A_9, %dot_general3A_845 : vector<400x256xf32>
    %slice3A_847 = vector.extract_strided_slice %add3A_846 {offsets = [0, 0], sizes = [400, 128], strides = [1, 1]} : vector<400x256xf32> to vector<400x128xf32>
    %slice3A_848 = vector.extract_strided_slice %add3A_846 {offsets = [0, 128], sizes = [400, 128], strides = [1, 1]} : vector<400x256xf32> to vector<400x128xf32>
    %max3A_849 = arith.constant 0.000000e+00 : f32
    %max3A_850 = vector.broadcast %max3A_849 : f32 to vector<400x128xf32>
    %max3A_851 = arith.maximumf %slice3A_848, %max3A_850 : vector<400x128xf32>
    %abs3A_852 = math.absf %slice3A_848 : vector<400x128xf32>
    %neg3A_853 = arith.constant 0.000000e+00 : f32
    %neg3A_854 = vector.broadcast %neg3A_853 : f32 to vector<400x128xf32>
    %neg3A_855 = arith.subf %neg3A_854, %abs3A_852 : vector<400x128xf32>
    %exp23A_856 = math.exp2 %neg3A_855 : vector<400x128xf32>
    %add3A_857 = arith.constant 1.000000e+00 : f32
    %add3A_858 = vector.broadcast %add3A_857 : f32 to vector<400x128xf32>
    %add3A_859 = arith.addf %add3A_858, %exp23A_856 : vector<400x128xf32>
    %log3A_860 = math.log %add3A_859 : vector<400x128xf32>
    %log3A_861 = arith.constant 2.000000e+00 : f32
    %log3A_862 = math.log %log3A_861 : f32
    %div3A_863 = vector.broadcast %log3A_862 : f32 to vector<400x128xf32>
    %div3A_864 = arith.divf %log3A_860, %div3A_863 : vector<400x128xf32>
    %add3A_865 = arith.addf %max3A_851, %div3A_864 : vector<400x128xf32>
    %tanh3A_866 = math.tanh %slice3A_847 : vector<400x128xf32>
    %add3A_867 = arith.constant 1.000000e+00 : f32
    %add3A_868 = vector.broadcast %add3A_867 : f32 to vector<400x128xf32>
    %add3A_869 = arith.addf %add3A_868, %tanh3A_866 : vector<400x128xf32>
    %mul3A_870 = arith.mulf %add3A_869, %add3A_865 : vector<400x128xf32>
    %add3A_871 = arith.addf %add3A_835, %mul3A_870 : vector<400x128xf32>
    %get3A_872 = arith.constant 24 : index
    %get3A_873 = arith.constant 0 : index
    %get3A_874 = arith.constant 0 : index
    %get3A_875 = vector.load %arg1[%get3A_872, %get3A_873, %get3A_874] : memref<32x400x128xf32, #tpu.memory_space<vmem>>, vector<1x400x128xf32>
    %get3A_876 = vector.shape_cast %get3A_875 : vector<1x400x128xf32> to vector<400x128xf32>
    %convert_element_type3A_877 = arith.truncf %get3A_876 : vector<400x128xf32> to vector<400x128xbf16>
    %slice3A_878 = vector.extract_strided_slice %convert_element_type3A_16 {offsets = [0, 384], sizes = [400, 16], strides = [1, 1]} : vector<400x512xbf16> to vector<400x16xbf16>
    %concatenate3A_879 = tpu.concatenate %convert_element_type3A_877, %slice3A_878 in 1 : vector<400x128xbf16>, vector<400x16xbf16> -> vector<400x144xbf16>
    %dot_general3A_880 = arith.constant dense<0.000000e+00> : vector<400x256xf32>
    %dot_general3A_881 = tpu.matmul %concatenate3A_879, %get3A_12, %dot_general3A_880 {dimension_numbers = #tpu.dot_dimension_numbers<[1], [0], [0], [1], [0, 0, 1, 1], [], []>, transpose_lhs_hint = false} : vector<400x144xbf16>, vector<144x256xbf16>, vector<400x256xf32> -> vector<400x256xf32>
    %add3A_882 = arith.addf %add3A_9, %dot_general3A_881 : vector<400x256xf32>
    %slice3A_883 = vector.extract_strided_slice %add3A_882 {offsets = [0, 0], sizes = [400, 128], strides = [1, 1]} : vector<400x256xf32> to vector<400x128xf32>
    %slice3A_884 = vector.extract_strided_slice %add3A_882 {offsets = [0, 128], sizes = [400, 128], strides = [1, 1]} : vector<400x256xf32> to vector<400x128xf32>
    %max3A_885 = arith.constant 0.000000e+00 : f32
    %max3A_886 = vector.broadcast %max3A_885 : f32 to vector<400x128xf32>
    %max3A_887 = arith.maximumf %slice3A_884, %max3A_886 : vector<400x128xf32>
    %abs3A_888 = math.absf %slice3A_884 : vector<400x128xf32>
    %neg3A_889 = arith.constant 0.000000e+00 : f32
    %neg3A_890 = vector.broadcast %neg3A_889 : f32 to vector<400x128xf32>
    %neg3A_891 = arith.subf %neg3A_890, %abs3A_888 : vector<400x128xf32>
    %exp23A_892 = math.exp2 %neg3A_891 : vector<400x128xf32>
    %add3A_893 = arith.constant 1.000000e+00 : f32
    %add3A_894 = vector.broadcast %add3A_893 : f32 to vector<400x128xf32>
    %add3A_895 = arith.addf %add3A_894, %exp23A_892 : vector<400x128xf32>
    %log3A_896 = math.log %add3A_895 : vector<400x128xf32>
    %log3A_897 = arith.constant 2.000000e+00 : f32
    %log3A_898 = math.log %log3A_897 : f32
    %div3A_899 = vector.broadcast %log3A_898 : f32 to vector<400x128xf32>
    %div3A_900 = arith.divf %log3A_896, %div3A_899 : vector<400x128xf32>
    %add3A_901 = arith.addf %max3A_887, %div3A_900 : vector<400x128xf32>
    %tanh3A_902 = math.tanh %slice3A_883 : vector<400x128xf32>
    %add3A_903 = arith.constant 1.000000e+00 : f32
    %add3A_904 = vector.broadcast %add3A_903 : f32 to vector<400x128xf32>
    %add3A_905 = arith.addf %add3A_904, %tanh3A_902 : vector<400x128xf32>
    %mul3A_906 = arith.mulf %add3A_905, %add3A_901 : vector<400x128xf32>
    %add3A_907 = arith.addf %add3A_871, %mul3A_906 : vector<400x128xf32>
    %get3A_908 = arith.constant 25 : index
    %get3A_909 = arith.constant 0 : index
    %get3A_910 = arith.constant 0 : index
    %get3A_911 = vector.load %arg1[%get3A_908, %get3A_909, %get3A_910] : memref<32x400x128xf32, #tpu.memory_space<vmem>>, vector<1x400x128xf32>
    %get3A_912 = vector.shape_cast %get3A_911 : vector<1x400x128xf32> to vector<400x128xf32>
    %convert_element_type3A_913 = arith.truncf %get3A_912 : vector<400x128xf32> to vector<400x128xbf16>
    %slice3A_914 = vector.extract_strided_slice %convert_element_type3A_16 {offsets = [0, 400], sizes = [400, 16], strides = [1, 1]} : vector<400x512xbf16> to vector<400x16xbf16>
    %concatenate3A_915 = tpu.concatenate %convert_element_type3A_913, %slice3A_914 in 1 : vector<400x128xbf16>, vector<400x16xbf16> -> vector<400x144xbf16>
    %dot_general3A_916 = arith.constant dense<0.000000e+00> : vector<400x256xf32>
    %dot_general3A_917 = tpu.matmul %concatenate3A_915, %get3A_12, %dot_general3A_916 {dimension_numbers = #tpu.dot_dimension_numbers<[1], [0], [0], [1], [0, 0, 1, 1], [], []>, transpose_lhs_hint = false} : vector<400x144xbf16>, vector<144x256xbf16>, vector<400x256xf32> -> vector<400x256xf32>
    %add3A_918 = arith.addf %add3A_9, %dot_general3A_917 : vector<400x256xf32>
    %slice3A_919 = vector.extract_strided_slice %add3A_918 {offsets = [0, 0], sizes = [400, 128], strides = [1, 1]} : vector<400x256xf32> to vector<400x128xf32>
    %slice3A_920 = vector.extract_strided_slice %add3A_918 {offsets = [0, 128], sizes = [400, 128], strides = [1, 1]} : vector<400x256xf32> to vector<400x128xf32>
    %max3A_921 = arith.constant 0.000000e+00 : f32
    %max3A_922 = vector.broadcast %max3A_921 : f32 to vector<400x128xf32>
    %max3A_923 = arith.maximumf %slice3A_920, %max3A_922 : vector<400x128xf32>
    %abs3A_924 = math.absf %slice3A_920 : vector<400x128xf32>
    %neg3A_925 = arith.constant 0.000000e+00 : f32
    %neg3A_926 = vector.broadcast %neg3A_925 : f32 to vector<400x128xf32>
    %neg3A_927 = arith.subf %neg3A_926, %abs3A_924 : vector<400x128xf32>
    %exp23A_928 = math.exp2 %neg3A_927 : vector<400x128xf32>
    %add3A_929 = arith.constant 1.000000e+00 : f32
    %add3A_930 = vector.broadcast %add3A_929 : f32 to vector<400x128xf32>
    %add3A_931 = arith.addf %add3A_930, %exp23A_928 : vector<400x128xf32>
    %log3A_932 = math.log %add3A_931 : vector<400x128xf32>
    %log3A_933 = arith.constant 2.000000e+00 : f32
    %log3A_934 = math.log %log3A_933 : f32
    %div3A_935 = vector.broadcast %log3A_934 : f32 to vector<400x128xf32>
    %div3A_936 = arith.divf %log3A_932, %div3A_935 : vector<400x128xf32>
    %add3A_937 = arith.addf %max3A_923, %div3A_936 : vector<400x128xf32>
    %tanh3A_938 = math.tanh %slice3A_919 : vector<400x128xf32>
    %add3A_939 = arith.constant 1.000000e+00 : f32
    %add3A_940 = vector.broadcast %add3A_939 : f32 to vector<400x128xf32>
    %add3A_941 = arith.addf %add3A_940, %tanh3A_938 : vector<400x128xf32>
    %mul3A_942 = arith.mulf %add3A_941, %add3A_937 : vector<400x128xf32>
    %add3A_943 = arith.addf %add3A_907, %mul3A_942 : vector<400x128xf32>
    %get3A_944 = arith.constant 26 : index
    %get3A_945 = arith.constant 0 : index
    %get3A_946 = arith.constant 0 : index
    %get3A_947 = vector.load %arg1[%get3A_944, %get3A_945, %get3A_946] : memref<32x400x128xf32, #tpu.memory_space<vmem>>, vector<1x400x128xf32>
    %get3A_948 = vector.shape_cast %get3A_947 : vector<1x400x128xf32> to vector<400x128xf32>
    %convert_element_type3A_949 = arith.truncf %get3A_948 : vector<400x128xf32> to vector<400x128xbf16>
    %slice3A_950 = vector.extract_strided_slice %convert_element_type3A_16 {offsets = [0, 416], sizes = [400, 16], strides = [1, 1]} : vector<400x512xbf16> to vector<400x16xbf16>
    %concatenate3A_951 = tpu.concatenate %convert_element_type3A_949, %slice3A_950 in 1 : vector<400x128xbf16>, vector<400x16xbf16> -> vector<400x144xbf16>
    %dot_general3A_952 = arith.constant dense<0.000000e+00> : vector<400x256xf32>
    %dot_general3A_953 = tpu.matmul %concatenate3A_951, %get3A_12, %dot_general3A_952 {dimension_numbers = #tpu.dot_dimension_numbers<[1], [0], [0], [1], [0, 0, 1, 1], [], []>, transpose_lhs_hint = false} : vector<400x144xbf16>, vector<144x256xbf16>, vector<400x256xf32> -> vector<400x256xf32>
    %add3A_954 = arith.addf %add3A_9, %dot_general3A_953 : vector<400x256xf32>
    %slice3A_955 = vector.extract_strided_slice %add3A_954 {offsets = [0, 0], sizes = [400, 128], strides = [1, 1]} : vector<400x256xf32> to vector<400x128xf32>
    %slice3A_956 = vector.extract_strided_slice %add3A_954 {offsets = [0, 128], sizes = [400, 128], strides = [1, 1]} : vector<400x256xf32> to vector<400x128xf32>
    %max3A_957 = arith.constant 0.000000e+00 : f32
    %max3A_958 = vector.broadcast %max3A_957 : f32 to vector<400x128xf32>
    %max3A_959 = arith.maximumf %slice3A_956, %max3A_958 : vector<400x128xf32>
    %abs3A_960 = math.absf %slice3A_956 : vector<400x128xf32>
    %neg3A_961 = arith.constant 0.000000e+00 : f32
    %neg3A_962 = vector.broadcast %neg3A_961 : f32 to vector<400x128xf32>
    %neg3A_963 = arith.subf %neg3A_962, %abs3A_960 : vector<400x128xf32>
    %exp23A_964 = math.exp2 %neg3A_963 : vector<400x128xf32>
    %add3A_965 = arith.constant 1.000000e+00 : f32
    %add3A_966 = vector.broadcast %add3A_965 : f32 to vector<400x128xf32>
    %add3A_967 = arith.addf %add3A_966, %exp23A_964 : vector<400x128xf32>
    %log3A_968 = math.log %add3A_967 : vector<400x128xf32>
    %log3A_969 = arith.constant 2.000000e+00 : f32
    %log3A_970 = math.log %log3A_969 : f32
    %div3A_971 = vector.broadcast %log3A_970 : f32 to vector<400x128xf32>
    %div3A_972 = arith.divf %log3A_968, %div3A_971 : vector<400x128xf32>
    %add3A_973 = arith.addf %max3A_959, %div3A_972 : vector<400x128xf32>
    %tanh3A_974 = math.tanh %slice3A_955 : vector<400x128xf32>
    %add3A_975 = arith.constant 1.000000e+00 : f32
    %add3A_976 = vector.broadcast %add3A_975 : f32 to vector<400x128xf32>
    %add3A_977 = arith.addf %add3A_976, %tanh3A_974 : vector<400x128xf32>
    %mul3A_978 = arith.mulf %add3A_977, %add3A_973 : vector<400x128xf32>
    %add3A_979 = arith.addf %add3A_943, %mul3A_978 : vector<400x128xf32>
    %get3A_980 = arith.constant 27 : index
    %get3A_981 = arith.constant 0 : index
    %get3A_982 = arith.constant 0 : index
    %get3A_983 = vector.load %arg1[%get3A_980, %get3A_981, %get3A_982] : memref<32x400x128xf32, #tpu.memory_space<vmem>>, vector<1x400x128xf32>
    %get3A_984 = vector.shape_cast %get3A_983 : vector<1x400x128xf32> to vector<400x128xf32>
    %convert_element_type3A_985 = arith.truncf %get3A_984 : vector<400x128xf32> to vector<400x128xbf16>
    %slice3A_986 = vector.extract_strided_slice %convert_element_type3A_16 {offsets = [0, 432], sizes = [400, 16], strides = [1, 1]} : vector<400x512xbf16> to vector<400x16xbf16>
    %concatenate3A_987 = tpu.concatenate %convert_element_type3A_985, %slice3A_986 in 1 : vector<400x128xbf16>, vector<400x16xbf16> -> vector<400x144xbf16>
    %dot_general3A_988 = arith.constant dense<0.000000e+00> : vector<400x256xf32>
    %dot_general3A_989 = tpu.matmul %concatenate3A_987, %get3A_12, %dot_general3A_988 {dimension_numbers = #tpu.dot_dimension_numbers<[1], [0], [0], [1], [0, 0, 1, 1], [], []>, transpose_lhs_hint = false} : vector<400x144xbf16>, vector<144x256xbf16>, vector<400x256xf32> -> vector<400x256xf32>
    %add3A_990 = arith.addf %add3A_9, %dot_general3A_989 : vector<400x256xf32>
    %slice3A_991 = vector.extract_strided_slice %add3A_990 {offsets = [0, 0], sizes = [400, 128], strides = [1, 1]} : vector<400x256xf32> to vector<400x128xf32>
    %slice3A_992 = vector.extract_strided_slice %add3A_990 {offsets = [0, 128], sizes = [400, 128], strides = [1, 1]} : vector<400x256xf32> to vector<400x128xf32>
    %max3A_993 = arith.constant 0.000000e+00 : f32
    %max3A_994 = vector.broadcast %max3A_993 : f32 to vector<400x128xf32>
    %max3A_995 = arith.maximumf %slice3A_992, %max3A_994 : vector<400x128xf32>
    %abs3A_996 = math.absf %slice3A_992 : vector<400x128xf32>
    %neg3A_997 = arith.constant 0.000000e+00 : f32
    %neg3A_998 = vector.broadcast %neg3A_997 : f32 to vector<400x128xf32>
    %neg3A_999 = arith.subf %neg3A_998, %abs3A_996 : vector<400x128xf32>
    %exp23A_1000 = math.exp2 %neg3A_999 : vector<400x128xf32>
    %add3A_1001 = arith.constant 1.000000e+00 : f32
    %add3A_1002 = vector.broadcast %add3A_1001 : f32 to vector<400x128xf32>
    %add3A_1003 = arith.addf %add3A_1002, %exp23A_1000 : vector<400x128xf32>
    %log3A_1004 = math.log %add3A_1003 : vector<400x128xf32>
    %log3A_1005 = arith.constant 2.000000e+00 : f32
    %log3A_1006 = math.log %log3A_1005 : f32
    %div3A_1007 = vector.broadcast %log3A_1006 : f32 to vector<400x128xf32>
    %div3A_1008 = arith.divf %log3A_1004, %div3A_1007 : vector<400x128xf32>
    %add3A_1009 = arith.addf %max3A_995, %div3A_1008 : vector<400x128xf32>
    %tanh3A_1010 = math.tanh %slice3A_991 : vector<400x128xf32>
    %add3A_1011 = arith.constant 1.000000e+00 : f32
    %add3A_1012 = vector.broadcast %add3A_1011 : f32 to vector<400x128xf32>
    %add3A_1013 = arith.addf %add3A_1012, %tanh3A_1010 : vector<400x128xf32>
    %mul3A_1014 = arith.mulf %add3A_1013, %add3A_1009 : vector<400x128xf32>
    %add3A_1015 = arith.addf %add3A_979, %mul3A_1014 : vector<400x128xf32>
    %get3A_1016 = arith.constant 28 : index
    %get3A_1017 = arith.constant 0 : index
    %get3A_1018 = arith.constant 0 : index
    %get3A_1019 = vector.load %arg1[%get3A_1016, %get3A_1017, %get3A_1018] : memref<32x400x128xf32, #tpu.memory_space<vmem>>, vector<1x400x128xf32>
    %get3A_1020 = vector.shape_cast %get3A_1019 : vector<1x400x128xf32> to vector<400x128xf32>
    %convert_element_type3A_1021 = arith.truncf %get3A_1020 : vector<400x128xf32> to vector<400x128xbf16>
    %slice3A_1022 = vector.extract_strided_slice %convert_element_type3A_16 {offsets = [0, 448], sizes = [400, 16], strides = [1, 1]} : vector<400x512xbf16> to vector<400x16xbf16>
    %concatenate3A_1023 = tpu.concatenate %convert_element_type3A_1021, %slice3A_1022 in 1 : vector<400x128xbf16>, vector<400x16xbf16> -> vector<400x144xbf16>
    %dot_general3A_1024 = arith.constant dense<0.000000e+00> : vector<400x256xf32>
    %dot_general3A_1025 = tpu.matmul %concatenate3A_1023, %get3A_12, %dot_general3A_1024 {dimension_numbers = #tpu.dot_dimension_numbers<[1], [0], [0], [1], [0, 0, 1, 1], [], []>, transpose_lhs_hint = false} : vector<400x144xbf16>, vector<144x256xbf16>, vector<400x256xf32> -> vector<400x256xf32>
    %add3A_1026 = arith.addf %add3A_9, %dot_general3A_1025 : vector<400x256xf32>
    %slice3A_1027 = vector.extract_strided_slice %add3A_1026 {offsets = [0, 0], sizes = [400, 128], strides = [1, 1]} : vector<400x256xf32> to vector<400x128xf32>
    %slice3A_1028 = vector.extract_strided_slice %add3A_1026 {offsets = [0, 128], sizes = [400, 128], strides = [1, 1]} : vector<400x256xf32> to vector<400x128xf32>
    %max3A_1029 = arith.constant 0.000000e+00 : f32
    %max3A_1030 = vector.broadcast %max3A_1029 : f32 to vector<400x128xf32>
    %max3A_1031 = arith.maximumf %slice3A_1028, %max3A_1030 : vector<400x128xf32>
    %abs3A_1032 = math.absf %slice3A_1028 : vector<400x128xf32>
    %neg3A_1033 = arith.constant 0.000000e+00 : f32
    %neg3A_1034 = vector.broadcast %neg3A_1033 : f32 to vector<400x128xf32>
    %neg3A_1035 = arith.subf %neg3A_1034, %abs3A_1032 : vector<400x128xf32>
    %exp23A_1036 = math.exp2 %neg3A_1035 : vector<400x128xf32>
    %add3A_1037 = arith.constant 1.000000e+00 : f32
    %add3A_1038 = vector.broadcast %add3A_1037 : f32 to vector<400x128xf32>
    %add3A_1039 = arith.addf %add3A_1038, %exp23A_1036 : vector<400x128xf32>
    %log3A_1040 = math.log %add3A_1039 : vector<400x128xf32>
    %log3A_1041 = arith.constant 2.000000e+00 : f32
    %log3A_1042 = math.log %log3A_1041 : f32
    %div3A_1043 = vector.broadcast %log3A_1042 : f32 to vector<400x128xf32>
    %div3A_1044 = arith.divf %log3A_1040, %div3A_1043 : vector<400x128xf32>
    %add3A_1045 = arith.addf %max3A_1031, %div3A_1044 : vector<400x128xf32>
    %tanh3A_1046 = math.tanh %slice3A_1027 : vector<400x128xf32>
    %add3A_1047 = arith.constant 1.000000e+00 : f32
    %add3A_1048 = vector.broadcast %add3A_1047 : f32 to vector<400x128xf32>
    %add3A_1049 = arith.addf %add3A_1048, %tanh3A_1046 : vector<400x128xf32>
    %mul3A_1050 = arith.mulf %add3A_1049, %add3A_1045 : vector<400x128xf32>
    %add3A_1051 = arith.addf %add3A_1015, %mul3A_1050 : vector<400x128xf32>
    %get3A_1052 = arith.constant 29 : index
    %get3A_1053 = arith.constant 0 : index
    %get3A_1054 = arith.constant 0 : index
    %get3A_1055 = vector.load %arg1[%get3A_1052, %get3A_1053, %get3A_1054] : memref<32x400x128xf32, #tpu.memory_space<vmem>>, vector<1x400x128xf32>
    %get3A_1056 = vector.shape_cast %get3A_1055 : vector<1x400x128xf32> to vector<400x128xf32>
    %convert_element_type3A_1057 = arith.truncf %get3A_1056 : vector<400x128xf32> to vector<400x128xbf16>
    %slice3A_1058 = vector.extract_strided_slice %convert_element_type3A_16 {offsets = [0, 464], sizes = [400, 16], strides = [1, 1]} : vector<400x512xbf16> to vector<400x16xbf16>
    %concatenate3A_1059 = tpu.concatenate %convert_element_type3A_1057, %slice3A_1058 in 1 : vector<400x128xbf16>, vector<400x16xbf16> -> vector<400x144xbf16>
    %dot_general3A_1060 = arith.constant dense<0.000000e+00> : vector<400x256xf32>
    %dot_general3A_1061 = tpu.matmul %concatenate3A_1059, %get3A_12, %dot_general3A_1060 {dimension_numbers = #tpu.dot_dimension_numbers<[1], [0], [0], [1], [0, 0, 1, 1], [], []>, transpose_lhs_hint = false} : vector<400x144xbf16>, vector<144x256xbf16>, vector<400x256xf32> -> vector<400x256xf32>
    %add3A_1062 = arith.addf %add3A_9, %dot_general3A_1061 : vector<400x256xf32>
    %slice3A_1063 = vector.extract_strided_slice %add3A_1062 {offsets = [0, 0], sizes = [400, 128], strides = [1, 1]} : vector<400x256xf32> to vector<400x128xf32>
    %slice3A_1064 = vector.extract_strided_slice %add3A_1062 {offsets = [0, 128], sizes = [400, 128], strides = [1, 1]} : vector<400x256xf32> to vector<400x128xf32>
    %max3A_1065 = arith.constant 0.000000e+00 : f32
    %max3A_1066 = vector.broadcast %max3A_1065 : f32 to vector<400x128xf32>
    %max3A_1067 = arith.maximumf %slice3A_1064, %max3A_1066 : vector<400x128xf32>
    %abs3A_1068 = math.absf %slice3A_1064 : vector<400x128xf32>
    %neg3A_1069 = arith.constant 0.000000e+00 : f32
    %neg3A_1070 = vector.broadcast %neg3A_1069 : f32 to vector<400x128xf32>
    %neg3A_1071 = arith.subf %neg3A_1070, %abs3A_1068 : vector<400x128xf32>
    %exp23A_1072 = math.exp2 %neg3A_1071 : vector<400x128xf32>
    %add3A_1073 = arith.constant 1.000000e+00 : f32
    %add3A_1074 = vector.broadcast %add3A_1073 : f32 to vector<400x128xf32>
    %add3A_1075 = arith.addf %add3A_1074, %exp23A_1072 : vector<400x128xf32>
    %log3A_1076 = math.log %add3A_1075 : vector<400x128xf32>
    %log3A_1077 = arith.constant 2.000000e+00 : f32
    %log3A_1078 = math.log %log3A_1077 : f32
    %div3A_1079 = vector.broadcast %log3A_1078 : f32 to vector<400x128xf32>
    %div3A_1080 = arith.divf %log3A_1076, %div3A_1079 : vector<400x128xf32>
    %add3A_1081 = arith.addf %max3A_1067, %div3A_1080 : vector<400x128xf32>
    %tanh3A_1082 = math.tanh %slice3A_1063 : vector<400x128xf32>
    %add3A_1083 = arith.constant 1.000000e+00 : f32
    %add3A_1084 = vector.broadcast %add3A_1083 : f32 to vector<400x128xf32>
    %add3A_1085 = arith.addf %add3A_1084, %tanh3A_1082 : vector<400x128xf32>
    %mul3A_1086 = arith.mulf %add3A_1085, %add3A_1081 : vector<400x128xf32>
    %add3A_1087 = arith.addf %add3A_1051, %mul3A_1086 : vector<400x128xf32>
    %get3A_1088 = arith.constant 30 : index
    %get3A_1089 = arith.constant 0 : index
    %get3A_1090 = arith.constant 0 : index
    %get3A_1091 = vector.load %arg1[%get3A_1088, %get3A_1089, %get3A_1090] : memref<32x400x128xf32, #tpu.memory_space<vmem>>, vector<1x400x128xf32>
    %get3A_1092 = vector.shape_cast %get3A_1091 : vector<1x400x128xf32> to vector<400x128xf32>
    %convert_element_type3A_1093 = arith.truncf %get3A_1092 : vector<400x128xf32> to vector<400x128xbf16>
    %slice3A_1094 = vector.extract_strided_slice %convert_element_type3A_16 {offsets = [0, 480], sizes = [400, 16], strides = [1, 1]} : vector<400x512xbf16> to vector<400x16xbf16>
    %concatenate3A_1095 = tpu.concatenate %convert_element_type3A_1093, %slice3A_1094 in 1 : vector<400x128xbf16>, vector<400x16xbf16> -> vector<400x144xbf16>
    %dot_general3A_1096 = arith.constant dense<0.000000e+00> : vector<400x256xf32>
    %dot_general3A_1097 = tpu.matmul %concatenate3A_1095, %get3A_12, %dot_general3A_1096 {dimension_numbers = #tpu.dot_dimension_numbers<[1], [0], [0], [1], [0, 0, 1, 1], [], []>, transpose_lhs_hint = false} : vector<400x144xbf16>, vector<144x256xbf16>, vector<400x256xf32> -> vector<400x256xf32>
    %add3A_1098 = arith.addf %add3A_9, %dot_general3A_1097 : vector<400x256xf32>
    %slice3A_1099 = vector.extract_strided_slice %add3A_1098 {offsets = [0, 0], sizes = [400, 128], strides = [1, 1]} : vector<400x256xf32> to vector<400x128xf32>
    %slice3A_1100 = vector.extract_strided_slice %add3A_1098 {offsets = [0, 128], sizes = [400, 128], strides = [1, 1]} : vector<400x256xf32> to vector<400x128xf32>
    %max3A_1101 = arith.constant 0.000000e+00 : f32
    %max3A_1102 = vector.broadcast %max3A_1101 : f32 to vector<400x128xf32>
    %max3A_1103 = arith.maximumf %slice3A_1100, %max3A_1102 : vector<400x128xf32>
    %abs3A_1104 = math.absf %slice3A_1100 : vector<400x128xf32>
    %neg3A_1105 = arith.constant 0.000000e+00 : f32
    %neg3A_1106 = vector.broadcast %neg3A_1105 : f32 to vector<400x128xf32>
    %neg3A_1107 = arith.subf %neg3A_1106, %abs3A_1104 : vector<400x128xf32>
    %exp23A_1108 = math.exp2 %neg3A_1107 : vector<400x128xf32>
    %add3A_1109 = arith.constant 1.000000e+00 : f32
    %add3A_1110 = vector.broadcast %add3A_1109 : f32 to vector<400x128xf32>
    %add3A_1111 = arith.addf %add3A_1110, %exp23A_1108 : vector<400x128xf32>
    %log3A_1112 = math.log %add3A_1111 : vector<400x128xf32>
    %log3A_1113 = arith.constant 2.000000e+00 : f32
    %log3A_1114 = math.log %log3A_1113 : f32
    %div3A_1115 = vector.broadcast %log3A_1114 : f32 to vector<400x128xf32>
    %div3A_1116 = arith.divf %log3A_1112, %div3A_1115 : vector<400x128xf32>
    %add3A_1117 = arith.addf %max3A_1103, %div3A_1116 : vector<400x128xf32>
    %tanh3A_1118 = math.tanh %slice3A_1099 : vector<400x128xf32>
    %add3A_1119 = arith.constant 1.000000e+00 : f32
    %add3A_1120 = vector.broadcast %add3A_1119 : f32 to vector<400x128xf32>
    %add3A_1121 = arith.addf %add3A_1120, %tanh3A_1118 : vector<400x128xf32>
    %mul3A_1122 = arith.mulf %add3A_1121, %add3A_1117 : vector<400x128xf32>
    %add3A_1123 = arith.addf %add3A_1087, %mul3A_1122 : vector<400x128xf32>
    %get3A_1124 = arith.constant 31 : index
    %get3A_1125 = arith.constant 0 : index
    %get3A_1126 = arith.constant 0 : index
    %get3A_1127 = vector.load %arg1[%get3A_1124, %get3A_1125, %get3A_1126] : memref<32x400x128xf32, #tpu.memory_space<vmem>>, vector<1x400x128xf32>
    %get3A_1128 = vector.shape_cast %get3A_1127 : vector<1x400x128xf32> to vector<400x128xf32>
    %convert_element_type3A_1129 = arith.truncf %get3A_1128 : vector<400x128xf32> to vector<400x128xbf16>
    %slice3A_1130 = vector.extract_strided_slice %convert_element_type3A_16 {offsets = [0, 496], sizes = [400, 16], strides = [1, 1]} : vector<400x512xbf16> to vector<400x16xbf16>
    %concatenate3A_1131 = tpu.concatenate %convert_element_type3A_1129, %slice3A_1130 in 1 : vector<400x128xbf16>, vector<400x16xbf16> -> vector<400x144xbf16>
    %dot_general3A_1132 = arith.constant dense<0.000000e+00> : vector<400x256xf32>
    %dot_general3A_1133 = tpu.matmul %concatenate3A_1131, %get3A_12, %dot_general3A_1132 {dimension_numbers = #tpu.dot_dimension_numbers<[1], [0], [0], [1], [0, 0, 1, 1], [], []>, transpose_lhs_hint = false} : vector<400x144xbf16>, vector<144x256xbf16>, vector<400x256xf32> -> vector<400x256xf32>
    %add3A_1134 = arith.addf %add3A_9, %dot_general3A_1133 : vector<400x256xf32>
    %slice3A_1135 = vector.extract_strided_slice %add3A_1134 {offsets = [0, 0], sizes = [400, 128], strides = [1, 1]} : vector<400x256xf32> to vector<400x128xf32>
    %slice3A_1136 = vector.extract_strided_slice %add3A_1134 {offsets = [0, 128], sizes = [400, 128], strides = [1, 1]} : vector<400x256xf32> to vector<400x128xf32>
    %max3A_1137 = arith.constant 0.000000e+00 : f32
    %max3A_1138 = vector.broadcast %max3A_1137 : f32 to vector<400x128xf32>
    %max3A_1139 = arith.maximumf %slice3A_1136, %max3A_1138 : vector<400x128xf32>
    %abs3A_1140 = math.absf %slice3A_1136 : vector<400x128xf32>
    %neg3A_1141 = arith.constant 0.000000e+00 : f32
    %neg3A_1142 = vector.broadcast %neg3A_1141 : f32 to vector<400x128xf32>
    %neg3A_1143 = arith.subf %neg3A_1142, %abs3A_1140 : vector<400x128xf32>
    %exp23A_1144 = math.exp2 %neg3A_1143 : vector<400x128xf32>
    %add3A_1145 = arith.constant 1.000000e+00 : f32
    %add3A_1146 = vector.broadcast %add3A_1145 : f32 to vector<400x128xf32>
    %add3A_1147 = arith.addf %add3A_1146, %exp23A_1144 : vector<400x128xf32>
    %log3A_1148 = math.log %add3A_1147 : vector<400x128xf32>
    %log3A_1149 = arith.constant 2.000000e+00 : f32
    %log3A_1150 = math.log %log3A_1149 : f32
    %div3A_1151 = vector.broadcast %log3A_1150 : f32 to vector<400x128xf32>
    %div3A_1152 = arith.divf %log3A_1148, %div3A_1151 : vector<400x128xf32>
    %add3A_1153 = arith.addf %max3A_1139, %div3A_1152 : vector<400x128xf32>
    %tanh3A_1154 = math.tanh %slice3A_1135 : vector<400x128xf32>
    %add3A_1155 = arith.constant 1.000000e+00 : f32
    %add3A_1156 = vector.broadcast %add3A_1155 : f32 to vector<400x128xf32>
    %add3A_1157 = arith.addf %add3A_1156, %tanh3A_1154 : vector<400x128xf32>
    %mul3A_1158 = arith.mulf %add3A_1157, %add3A_1153 : vector<400x128xf32>
    %add3A_1159 = arith.addf %add3A_1123, %mul3A_1158 : vector<400x128xf32>
    %mul3A_1160 = arith.constant 0.346573591 : f32
    %mul3A_1161 = vector.broadcast %mul3A_1160 : f32 to vector<400x128xf32>
    %mul3A_1162 = arith.mulf %mul3A_1161, %add3A_1159 : vector<400x128xf32>
    %add3A_1163 = arith.addf %get3A_1, %mul3A_1162 : vector<400x128xf32>
    %swap3A = arith.constant 0 : index
    %swap3A_1164 = arith.constant 0 : index
    %swap3A_1165 = vector.load %arg7[%swap3A, %swap3A_1164] : memref<400x128xf32, #tpu.memory_space<vmem>>, vector<400x128xf32>
    tpu.vector_store %arg7[%swap3A, %swap3A_1164], %add3A_1163 {strides = array<i32>} : memref<400x128xf32, #tpu.memory_space<vmem>>, vector<400x128xf32>,
    %eq3A = arith.constant 0 : i32
    %eq3A_1166 = arith.cmpi eq, %arg0, %eq3A : i32
    %convert_element_type3A_1167 = arith.extui %eq3A_1166 : i1 to i32
    %cond3A = arith.constant 0 : i32
    %cond3A_1168 = arith.cmpi ne, %convert_element_type3A_1167, %cond3A : i32
    scf.if %cond3A_1168 {
      %broadcast_in_dim3A_1189 = arith.constant 0.000000e+00 : f32
      %broadcast_in_dim3A_1190 = vector.broadcast %broadcast_in_dim3A_1189 : f32 to vector<8x128xf32>
      %swap3A_1191 = arith.constant 0 : index
      %swap3A_1192 = arith.constant 0 : index
      %swap3A_1193 = vector.load %arg8[%swap3A_1191, %swap3A_1192] : memref<8x128xf32, #tpu.memory_space<vmem>>, vector<8x128xf32>
      tpu.vector_store %arg8[%swap3A_1191, %swap3A_1192], %broadcast_in_dim3A_1190 {strides = array<i32>} : memref<8x128xf32, #tpu.memory_space<vmem>>, vector<8x128xf32>,
      %broadcast_in_dim3A_1194 = arith.constant 0.000000e+00 : f32
      %broadcast_in_dim3A_1195 = vector.broadcast %broadcast_in_dim3A_1194 : f32 to vector<8x128xf32>
      %swap3A_1196 = arith.constant 0 : index
      %swap3A_1197 = arith.constant 0 : index
      %swap3A_1198 = vector.load %arg9[%swap3A_1196, %swap3A_1197] : memref<8x128xf32, #tpu.memory_space<vmem>>, vector<8x128xf32>
      tpu.vector_store %arg9[%swap3A_1196, %swap3A_1197], %broadcast_in_dim3A_1195 {strides = array<i32>} : memref<8x128xf32, #tpu.memory_space<vmem>>, vector<8x128xf32>,
    } else {
    }
    %get3A_1169 = arith.constant 0 : index
    %get3A_1170 = arith.constant 0 : index
    %get3A_1171 = vector.load %arg8[%get3A_1169, %get3A_1170] : memref<8x128xf32, #tpu.memory_space<vmem>>, vector<1x128xf32>
    %reduce_sum3A = arith.constant dense<0.000000e+00> : vector<128xf32>
    %reduce_sum3A_1172 = vector.multi_reduction <add>, %add3A_1163, %reduce_sum3A [0] : vector<400x128xf32> to vector<128xf32>
    %broadcast_in_dim3A_1173 = vector.shape_cast %reduce_sum3A_1172 : vector<128xf32> to vector<1x128xf32>
    %add3A_1174 = arith.addf %get3A_1171, %broadcast_in_dim3A_1173 : vector<1x128xf32>
    %swap3A_1175 = arith.constant 0 : index
    %swap3A_1176 = arith.constant 0 : index
    %swap3A_1177 = vector.load %arg8[%swap3A_1175, %swap3A_1176] : memref<8x128xf32, #tpu.memory_space<vmem>>, vector<1x128xf32>
    tpu.vector_store %arg8[%swap3A_1175, %swap3A_1176], %add3A_1174 {strides = array<i32>} : memref<8x128xf32, #tpu.memory_space<vmem>>, vector<1x128xf32>,
    %get3A_1178 = arith.constant 0 : index
    %get3A_1179 = arith.constant 0 : index
    %get3A_1180 = vector.load %arg9[%get3A_1178, %get3A_1179] : memref<8x128xf32, #tpu.memory_space<vmem>>, vector<1x128xf32>
    %mul3A_1181 = arith.mulf %add3A_1163, %add3A_1163 : vector<400x128xf32>
    %reduce_sum3A_1182 = arith.constant dense<0.000000e+00> : vector<128xf32>
    %reduce_sum3A_1183 = vector.multi_reduction <add>, %mul3A_1181, %reduce_sum3A_1182 [0] : vector<400x128xf32> to vector<128xf32>
    %broadcast_in_dim3A_1184 = vector.shape_cast %reduce_sum3A_1183 : vector<128xf32> to vector<1x128xf32>
    %add3A_1185 = arith.addf %get3A_1180, %broadcast_in_dim3A_1184 : vector<1x128xf32>
    %swap3A_1186 = arith.constant 0 : index
    %swap3A_1187 = arith.constant 0 : index
    %swap3A_1188 = vector.load %arg9[%swap3A_1186, %swap3A_1187] : memref<8x128xf32, #tpu.memory_space<vmem>>, vector<1x128xf32>
    tpu.vector_store %arg9[%swap3A_1186, %swap3A_1187], %add3A_1185 {strides = array<i32>} : memref<8x128xf32, #tpu.memory_space<vmem>>, vector<1x128xf32>,
    return
  }
  func.func @transform_0(%arg0: i32) -> (i32, i32, i32) {
    %c0_i32 = arith.constant 0 : i32
    %c0_i32_0 = arith.constant 0 : i32
    %c0_i32_1 = arith.constant 0 : i32
    return %c0_i32, %arg0, %c0_i32_0 : i32, i32, i32
  }
  func.func @transform_1(%arg0: i32) -> (i32, i32) {
    %c0_i32 = arith.constant 0 : i32
    %c0_i32_0 = arith.constant 0 : i32
    return %arg0, %c0_i32 : i32, i32
  }
  func.func @transform_2(%arg0: i32) -> (i32, i32) {
    %c0_i32 = arith.constant 0 : i32
    %c0_i32_0 = arith.constant 0 : i32
    return %arg0, %c0_i32 : i32, i32
  }
  func.func @transform_3(%arg0: i32) -> (i32, i32) {
    %c0_i32 = arith.constant 0 : i32
    %c0_i32_0 = arith.constant 0 : i32
    %c0_i32_1 = arith.constant 0 : i32
    return %c0_i32, %c0_i32_0 : i32, i32
  }
  func.func @transform_4(%arg0: i32) -> (i32, i32) {
    %c0_i32 = arith.constant 0 : i32
    %c0_i32_0 = arith.constant 0 : i32
    %c0_i32_1 = arith.constant 0 : i32
    return %c0_i32, %c0_i32_0 : i32, i32
  }
  func.func @transform_5(%arg0: i32) -> (i32, i32) {
    %c0_i32 = arith.constant 0 : i32
    %c0_i32_0 = arith.constant 0 : i32
    %c0_i32_1 = arith.constant 0 : i32
    return %c0_i32, %c0_i32_0 : i32, i32
  }
  func.func @transform_6(%arg0: i32) -> (i32, i32) {
    %c0_i32 = arith.constant 0 : i32
    %c0_i32_0 = arith.constant 0 : i32
    return %arg0, %c0_i32 : i32, i32
  }
  func.func @transform_7(%arg0: i32) -> (i32, i32) {
    %c0_i32 = arith.constant 0 : i32
    %c0_i32_0 = arith.constant 0 : i32
    %c0_i32_1 = arith.constant 0 : i32
    return %c0_i32, %c0_i32_0 : i32, i32
  }
  func.func @transform_8(%arg0: i32) -> (i32, i32) {
    %c0_i32 = arith.constant 0 : i32
    %c0_i32_0 = arith.constant 0 : i32
    %c0_i32_1 = arith.constant 0 : i32
    return %c0_i32, %c0_i32_0 : i32, i32
  }
}

module attributes {stable_mosaic.version = 14 : i64} {
  func.func @_pass2_body(%arg0: i32, %arg1: memref<1000x128xf32, #tpu.memory_space<vmem>>, %arg2: memref<8x128xf32, #tpu.memory_space<vmem>>, %arg3: memref<8x128xf32, #tpu.memory_space<vmem>>, %arg4: memref<8x128xf32, #tpu.memory_space<vmem>>, %arg5: memref<8x128xf32, #tpu.memory_space<vmem>>, %arg6: memref<1000x128xf32, #tpu.memory_space<vmem>>) attributes {dimension_semantics = [#tpu.dimension_semantics<arbitrary>], iteration_bounds = array<i64: 10>, scalar_prefetch = 0 : i64, scratch_operands = 0 : i64, tpu.core_type = #tpu.core_type<tc>, window_params = [{transform_indices = @transform_0, window_bounds = array<i64: 1000, 128>}, {pipeline_mode = #tpu.pipeline_mode<synchronous>, transform_indices = @transform_1, window_bounds = array<i64: 8, 128>}, {pipeline_mode = #tpu.pipeline_mode<synchronous>, transform_indices = @transform_2, window_bounds = array<i64: 8, 128>}, {pipeline_mode = #tpu.pipeline_mode<synchronous>, transform_indices = @transform_3, window_bounds = array<i64: 8, 128>}, {pipeline_mode = #tpu.pipeline_mode<synchronous>, transform_indices = @transform_4, window_bounds = array<i64: 8, 128>}, {transform_indices = @transform_5, window_bounds = array<i64: 1000, 128>}]} {
    %get3A = arith.constant 0 : index
    %get3A_0 = arith.constant 0 : index
    %get3A_1 = vector.load %arg2[%get3A, %get3A_0] : memref<8x128xf32, #tpu.memory_space<vmem>>, vector<8x128xf32>
    %reduce_sum3A = arith.constant dense<0.000000e+00> : vector<128xf32>
    %reduce_sum3A_2 = vector.multi_reduction <add>, %get3A_1, %reduce_sum3A [0] : vector<8x128xf32> to vector<128xf32>
    %broadcast_in_dim3A = vector.shape_cast %reduce_sum3A_2 : vector<128xf32> to vector<1x128xf32>
    %mul3A = arith.constant 9.99999974E-5 : f32
    %mul3A_3 = vector.broadcast %mul3A : f32 to vector<1x128xf32>
    %mul3A_4 = arith.mulf %broadcast_in_dim3A, %mul3A_3 : vector<1x128xf32>
    %get3A_5 = arith.constant 0 : index
    %get3A_6 = arith.constant 0 : index
    %get3A_7 = vector.load %arg3[%get3A_5, %get3A_6] : memref<8x128xf32, #tpu.memory_space<vmem>>, vector<8x128xf32>
    %reduce_sum3A_8 = arith.constant dense<0.000000e+00> : vector<128xf32>
    %reduce_sum3A_9 = vector.multi_reduction <add>, %get3A_7, %reduce_sum3A_8 [0] : vector<8x128xf32> to vector<128xf32>
    %broadcast_in_dim3A_10 = vector.shape_cast %reduce_sum3A_9 : vector<128xf32> to vector<1x128xf32>
    %mul3A_11 = arith.constant 9.99999974E-5 : f32
    %mul3A_12 = vector.broadcast %mul3A_11 : f32 to vector<1x128xf32>
    %mul3A_13 = arith.mulf %broadcast_in_dim3A_10, %mul3A_12 : vector<1x128xf32>
    %mul3A_14 = arith.mulf %mul3A_4, %mul3A_4 : vector<1x128xf32>
    %sub3A = arith.subf %mul3A_13, %mul3A_14 : vector<1x128xf32>
    %add3A = arith.constant 9.99999974E-6 : f32
    %add3A_15 = vector.broadcast %add3A : f32 to vector<1x128xf32>
    %add3A_16 = arith.addf %sub3A, %add3A_15 : vector<1x128xf32>
    %rsqrt3A = math.rsqrt %add3A_16 : vector<1x128xf32>
    %get3A_17 = arith.constant 0 : index
    %get3A_18 = arith.constant 0 : index
    %get3A_19 = vector.load %arg1[%get3A_17, %get3A_18] : memref<1000x128xf32, #tpu.memory_space<vmem>>, vector<1000x128xf32>
    %sub3A_20 = vector.broadcast %mul3A_4 : vector<1x128xf32> to vector<1000x128xf32>
    %sub3A_21 = arith.subf %get3A_19, %sub3A_20 : vector<1000x128xf32>
    %get3A_22 = arith.constant 0 : index
    %get3A_23 = arith.constant 0 : index
    %get3A_24 = vector.load %arg4[%get3A_22, %get3A_23] : memref<8x128xf32, #tpu.memory_space<vmem>>, vector<1x128xf32>
    %mul3A_25 = arith.mulf %rsqrt3A, %get3A_24 : vector<1x128xf32>
    %mul3A_26 = vector.broadcast %mul3A_25 : vector<1x128xf32> to vector<1000x128xf32>
    %mul3A_27 = arith.mulf %sub3A_21, %mul3A_26 : vector<1000x128xf32>
    %get3A_28 = arith.constant 0 : index
    %get3A_29 = arith.constant 0 : index
    %get3A_30 = vector.load %arg5[%get3A_28, %get3A_29] : memref<8x128xf32, #tpu.memory_space<vmem>>, vector<1x128xf32>
    %add3A_31 = vector.broadcast %get3A_30 : vector<1x128xf32> to vector<1000x128xf32>
    %add3A_32 = arith.addf %mul3A_27, %add3A_31 : vector<1000x128xf32>
    %max3A = arith.constant 0.000000e+00 : f32
    %max3A_33 = vector.broadcast %max3A : f32 to vector<1000x128xf32>
    %max3A_34 = arith.maximumf %add3A_32, %max3A_33 : vector<1000x128xf32>
    %abs3A = math.absf %add3A_32 : vector<1000x128xf32>
    %neg3A = arith.constant 0.000000e+00 : f32
    %neg3A_35 = vector.broadcast %neg3A : f32 to vector<1000x128xf32>
    %neg3A_36 = arith.subf %neg3A_35, %abs3A : vector<1000x128xf32>
    %exp3A = math.exp %neg3A_36 : vector<1000x128xf32>
    %add3A_37 = arith.constant 1.000000e+00 : f32
    %add3A_38 = vector.broadcast %add3A_37 : f32 to vector<1000x128xf32>
    %add3A_39 = arith.addf %add3A_38, %exp3A : vector<1000x128xf32>
    %log3A = math.log %add3A_39 : vector<1000x128xf32>
    %add3A_40 = arith.addf %max3A_34, %log3A : vector<1000x128xf32>
    %swap3A = arith.constant 0 : index
    %swap3A_41 = arith.constant 0 : index
    %swap3A_42 = vector.load %arg6[%swap3A, %swap3A_41] : memref<1000x128xf32, #tpu.memory_space<vmem>>, vector<1000x128xf32>
    tpu.vector_store %arg6[%swap3A, %swap3A_41], %add3A_40 {strides = array<i32>} : memref<1000x128xf32, #tpu.memory_space<vmem>>, vector<1000x128xf32>,
    return
  }
  func.func @transform_0(%arg0: i32) -> (i32, i32) {
    %c0_i32 = arith.constant 0 : i32
    %c0_i32_0 = arith.constant 0 : i32
    return %arg0, %c0_i32 : i32, i32
  }
  func.func @transform_1(%arg0: i32) -> (i32, i32) {
    %c0_i32 = arith.constant 0 : i32
    %c0_i32_0 = arith.constant 0 : i32
    %c0_i32_1 = arith.constant 0 : i32
    return %c0_i32, %c0_i32_0 : i32, i32
  }
  func.func @transform_2(%arg0: i32) -> (i32, i32) {
    %c0_i32 = arith.constant 0 : i32
    %c0_i32_0 = arith.constant 0 : i32
    %c0_i32_1 = arith.constant 0 : i32
    return %c0_i32, %c0_i32_0 : i32, i32
  }
  func.func @transform_3(%arg0: i32) -> (i32, i32) {
    %c0_i32 = arith.constant 0 : i32
    %c0_i32_0 = arith.constant 0 : i32
    %c0_i32_1 = arith.constant 0 : i32
    return %c0_i32, %c0_i32_0 : i32, i32
  }
  func.func @transform_4(%arg0: i32) -> (i32, i32) {
    %c0_i32 = arith.constant 0 : i32
    %c0_i32_0 = arith.constant 0 : i32
    %c0_i32_1 = arith.constant 0 : i32
    return %c0_i32, %c0_i32_0 : i32, i32
  }
  func.func @transform_5(%arg0: i32) -> (i32, i32) {
    %c0_i32 = arith.constant 0 : i32
    %c0_i32_0 = arith.constant 0 : i32
    return %arg0, %c0_i32 : i32, i32
  }
}

</mosaic_0001>

<sc_bundles>
// kernel: kernel.5.cloned.1.call-start
scs
__scs_entry_jumppad:
0x0: {  	(pc) =	sbr.rel $0x88, $3  }
0x1: {  	(tag) =	ssettag $0x0;
	lr =	simm.s32 $0x1  }
0x2: {  	[smem:$0x3F9A] =	sst lr;
	_ =	strace $0xD0000000  }
0x3: {  	_ = 	snop  }
0x4: {  	_ = 	snop  }
0x5: {  	_ = 	snop  }
0x6: {  	_ = 	snop  }
0x7: {  	_ = 	snop  }
__scs_overlays_trampoline_lowered:
0x8: {  	[smem:$0x3FA9] =	sst s0  }
0x9: {  	[smem:$0x3FAA] =	sst s1  }
0xa: {  	[smem:$0x3FAB] =	sst s2  }
0xb: {  	[smem:$0x3FAC] =	sst s3  }
0xc: {  	[smem:$0x3FAD] =	sst s4  }
0xd: {  	[smem:$0x3FAE] =	sst s5  }
0xe: {  	[smem:$0x3FAF] =	sst s6  }
0xf: {  	[smem:$0x3FB0] =	sst s7  }
0x10: {  	[smem:$0x3FB1] =	sst s8  }
0x11: {  	[smem:$0x3FB2] =	sst s9;
	s0 =	simm.s32 @!p0 $0x0  }
0x12: {  	s1 =	sld [smem:$0x3F98];
	s0 =	simm.s32 @p0 $0x1  }
0x13: {  	[smem:$0x3FB3] =	sst s0;
	s0 =	simm.s32 @!p1 $0x0  }
0x14: {  	s2 =	sld [smem:$0x3F97];
	s0 =	simm.s32 @p1 $0x1  }
0x15: {  	[smem:$0x3FB4] =	sst s0;
	s0 =	simm.s32 @!p2 $0x0  }
0x16: {  	s3 =	sld [smem:$0x3FDB];
	s0 =	simm.s32 @p2 $0x1  }
0x17: {  	s4 =	simm.s32 $0x1BF5;
	[smem:$0x3FB6] =	sst s0  }
0x18: {  	s0 =	sld [smem:$0x3F99];
	_ =	swait.ge [sflag:s4], $0x0  }
0x19: {  	s7 =	sld [smem:$0x3F9A]  }
0x1a: {  	s8 =	sadd.s32 $0xFFFFE003, lr  }
0x1b: {  	s9 =	sadd.s32 $0xFFFFFEF7, lr;
	s5 =	simm.s32 $0xFFFFFFFF;
	p2 =	slt.u32 s8, $0xFFFFF086  }
0x1c: {  	p1 =	slt.u32 s9, $0xF7A;
	s5 =	simm.s32 @!p2 $0x0  }
0x1d: {  	s5 =	simm.s32 @p1 $0x1;
	p0 =	seq.s32 s7, s2  }
0x1e: {  	s7 =	smul.u32 @!p0 $0xF7A, s2;
	p2 =	seq.s32 @!p0 s5, $0x0  }
0x1f: {  	s9 =	smul.u32 $0xF7A, s1;
	s8 =	simm.s32 @!p0 $0x1BF5;
	p2 =	por !p2, p0  }
0x20: {  	[sflag:s8] =	ssyncset.s32 @!p0 $0xFFFFF086;
	s6 =	sadd.s32 @!p0 s3, s7;
	s7 =	simm.s32 @!p0 $0x108  }
0x21: {  	s3 =	sadd.s32 s3, s9;
	s6 =	sadd.s32 @!p0 $0x88, s6;
	s7 =	simm.s32 @p2 $0x1082  }
0x22: {  	[simem:s7], [sflag:s8] =	dma.local @!p0 [hbm:s6], $0xF7A  }
0x23: {  	s9 =	sor.u32 $0xD0000000, s2;
	s6 =	simm.s32 $0x108;
	_ =	swait.ge @!p0 [sflag:s8], $0x0  }
0x24: {  	s3 =	sadd.s32 $0x88, s3;
	s6 =	simm.s32 @!p1 $0x1082;
	[sflag:s4] =	ssyncset.s32 $0xFFFFF086  }
0x25: {  	[simem:s6], [sflag:s4] =	dma.local [hbm:s3], $0xF7A  }
0x26: {  	[smem:$0x3F9A] =	sst s1;
	(tag) =	ssettag s2;
	_ =	strace s9  }
0x27: {  	s1 =	sld [smem:$0x3FAA]  }
0x28: {  	s2 =	sld [smem:$0x3FAB]  }
0x29: {  	s4 =	sld [smem:$0x3FAD]  }
0x2a: {  	p0 =	seq.s32 s5, $0x0;
	s5 =	sld [smem:$0x3FAE]  }
0x2b: {  	s6 =	sld [smem:$0x3FAF]  }
0x2c: {  	s7 =	sld [smem:$0x3FB0]  }
0x2d: {  	s3 =	simm.s32 $0x108;
	s8 =	sld [smem:$0x3FB1]  }
0x2e: {  	s3 =	simm.s32 @!p0 $0x1082;
	s9 =	sld [smem:$0x3FB2]  }
0x2f: {  	lr =	sadd.s32 s0, s3;
	s0 =	sld [smem:$0x3FA9]  }
0x30: {  	s3 =	sld [smem:$0x3FAC]  }
0x31: {  	[smem:$0x3FB5] =	sst s10  }
0x32: {  	s10 =	sld [smem:$0x3FB3];
	_ =	sdelay $0x3  }
0x33: {  	p0 =	seq.s32 s10, $0x1;
	s10 =	sld [smem:$0x3FB5];
	_ =	sdelay $0x3  }
0x34: {  	[smem:$0x3FB5] =	sst s10  }
0x35: {  	s10 =	sld [smem:$0x3FB4];
	_ =	sdelay $0x3  }
0x36: {  	p1 =	seq.s32 s10, $0x1;
	s10 =	sld [smem:$0x3FB5];
	_ =	sdelay $0x3  }
0x37: {  	[smem:$0x3FB5] =	sst s10  }
0x38: {  	s10 =	sld [smem:$0x3FB6]  }
0x39: {  	_ = 	snop;
	(pc) =	sbr.ind lr, $3  }
0x3a: {  	_ = 	snop  }
0x3b: {  	_ = 	snop  }
0x3c: {  	p2 =	seq.s32 s10, $0x1;
	s10 =	sld [smem:$0x3FB5]  }
0x3d: {  	_ =	shalt  }
0x3e: {  	_ =	shalt  }
0x3f: {  	_ =	shalt  }
0x40: {  	_ =	shalt  }
0x41: {  	_ =	shalt  }
0x42: {  	_ =	shalt  }
0x43: {  	_ =	shalt  }
0x44: {  	_ =	shalt  }
0x45: {  	_ =	shalt  }
0x46: {  	_ =	shalt  }
0x47: {  	_ =	shalt  }
0x48: {  	_ =	shalt  }
0x49: {  	_ =	shalt  }
0x4a: {  	_ =	shalt  }
0x4b: {  	_ =	shalt  }
0x4c: {  	_ =	shalt  }
0x4d: {  	_ =	shalt  }
0x4e: {  	_ =	shalt  }
0x4f: {  	_ =	shalt  }
0x50: {  	_ =	shalt  }
0x51: {  	_ =	shalt  }
0x52: {  	_ =	shalt  }
0x53: {  	_ =	shalt  }
0x54: {  	_ =	shalt  }
0x55: {  	_ =	shalt  }
0x56: {  	_ =	shalt  }
0x57: {  	_ =	shalt  }
0x58: {  	_ =	shalt  }
0x59: {  	_ =	shalt  }
0x5a: {  	_ =	shalt  }
0x5b: {  	_ =	shalt  }
0x5c: {  	_ =	shalt  }
0x5d: {  	_ =	shalt  }
0x5e: {  	_ =	shalt  }
0x5f: {  	_ =	shalt  }
0x60: {  	_ =	shalt  }
0x61: {  	_ =	shalt  }
0x62: {  	_ =	shalt  }
0x63: {  	_ =	shalt  }
0x64: {  	_ =	shalt  }
0x65: {  	_ =	shalt  }
0x66: {  	_ =	shalt  }
0x67: {  	_ =	shalt  }
0x68: {  	_ =	shalt  }
0x69: {  	_ =	shalt  }
0x6a: {  	_ =	shalt  }
0x6b: {  	_ =	shalt  }
0x6c: {  	_ =	shalt  }
0x6d: {  	_ =	shalt  }
0x6e: {  	_ =	shalt  }
0x6f: {  	_ =	shalt  }
0x70: {  	_ =	shalt  }
0x71: {  	_ =	shalt  }
0x72: {  	_ =	shalt  }
0x73: {  	_ =	shalt  }
0x74: {  	_ =	shalt  }
0x75: {  	_ =	shalt  }
0x76: {  	_ =	shalt  }
0x77: {  	_ =	shalt  }
0x78: {  	_ =	shalt  }
0x79: {  	_ =	shalt  }
0x7a: {  	_ =	shalt  }
0x7b: {  	_ =	shalt  }
0x7c: {  	_ =	shalt  }
0x7d: {  	_ =	shalt  }
0x7e: {  	_ =	shalt  }
0x7f: {  	_ =	shalt  }
0x80: {  	_ =	shalt  }
0x81: {  	_ =	shalt  }
0x82: {  	_ =	shalt  }
0x83: {  	_ =	shalt  }
0x84: {  	_ =	shalt  }
0x85: {  	_ =	shalt  }
0x86: {  	_ =	shalt  }
0x87: {  	_ =	shalt  }
.Lfunc_end0:
.L_simem_size_0:
called_computation_lowered:
.L_overlay_start_0:
0x88: {  	s2 =	sld [smem:$0x3FD9]  }
0x89: {  	s3 =	sld [smem:$0x3FFE];
	_ =	sdelay $0x1  }
0x8a: {  	s1 =	srdreg.scid  }
0x8b: {  	s0 =	sand.u32 $0x1, s1  }
0x8c: {  	s17 =	sshll.u32 s0, $0xA;
	s2 =	sadd.s32 s3, s2  }
0x8d: {  	s2 =	sadd.s32 s2, s17  }
0x8e: {  	[smem:$0x3FC1] =	sst s2  }
0x8f: {  	_ = 	snop  }
0x90: {  	s2 =	sld [smem:$0x3FC9]  }
0x91: {  	s18 =	sld [smem:$0x3FD0];
	(tm) =	ssettm $0x1  }
0x92: {  	s4 =	sld [smem:$0x3FFB];
	_ =	sdelay $0x3  }
0x93: {  	_ =	strace s4  }
0x94: {  	s4 =	sld [smem:$0x3FFC];
	_ =	sdelay $0x3  }
0x95: {  	_ =	strace s4  }
0x96: {  	s4 =	sld [smem:$0x3FFD];
	_ =	sdelay $0x3  }
0x97: {  	_ =	strace s4  }
0x98: {  	_ =	strace $0x8FFFFFFF  }
0x99: {  	s19 =	sld [smem:$0x3FDB];
	_ =	sdelay $0x1  }
0x9a: {  	s5 =	simm.s32 $_scs_section_size  }
0x9b: {  	s6 =	simm.s32 $_size__tile_overlayer_lowered;
	s7 =	simm.s32 $_tile_overlayer_lowered  }
0x9c: {  	s22 =	simm.s32 $0x1BFF;
	s21 =	sshll.u32 s7, $0x1;
	s4 =	sadd.s32 s5, s19  }
0x9d: {  	s8 =	simm.s32 $0x0;
	s20 =	sshll.u32 s6, $0x1;
	s6 =	sadd.s32 s21, s4  }
0x9e: {  	[timem:s8], [sflag:s22] =	dma.local [hbm:s6], s20  }
0x9f: {  	_ =	swait.ge [sflag:s22], s20  }
0xa0: {  	s5 =	ssub.s32 $0x0, s20;
	[sflag:s22] =	ssyncset.done $0x0  }
0xa1: {  	[sflag:s22] =	ssyncadd.s32 s5;
	_ =	sdelay $0x1  }
0xa2: {  	s23 =	simm.s32 $0x1B8B  }
0xa3: {  	_ =	swait.ge [sflag:s23], $0x1  }
0xa4: {  	[sflag:s23] =	ssyncset.done $0x0  }
0xa5: {  	s25 =	simm.s32 $0x1B8E;
	s24 =	sld [smem:$0x3FFE];
	[sflag:s23] =	ssyncadd.s32 $0xFFFFFFFF  }
0xa6: {  	s26 =	simm.s32 $execute0_lowered;
	[smem:$0x3FD2] =	sst s25  }
0xa7: {  	s6 =	sshll.u32 s26, $0x1;
	_ =	strace $0x80000046;
	[dreg:$0x1] =	wrdreg $0xFFFFFFFF  }
0xa8: {  	s28 =	simm.s32 $_size_execute0_lowered;
	s4 =	sadd.s32 s4, s6;
	[dreg:$0x0] =	wrdreg $0x0  }
0xa9: {  	s6 =	sshll.u32 s28, $0x1;
	[dreg:$0x2] =	wrdreg s4  }
0xaa: {  	[dreg:$0x3] =	wrdreg s6  }
0xab: {  	[dreg:$0x4] =	wrdreg $0xC0  }
0xac: {  	_ =	task [dreg:s8], $0x5FFFF  }
0xad: {  	[dreg:$0x1] =	wrdreg $0xFFFFFFFF  }
0xae: {  	[dreg:$0x0] =	wrdreg $0x60  }
0xaf: {  	[dreg:$0x2] =	wrdreg s2  }
0xb0: {  	[dreg:$0x3] =	wrdreg s18  }
0xb1: {  	[dreg:$0x4] =	wrdreg s24  }
0xb2: {  	[dreg:$0x5] =	wrdreg $0x9  }
0xb3: {  	_ =	task.clear_ibuf [dreg:s8], $0x6FFFF;
	_ =	strace $0x90000046  }
0xb4: {  	s29 =	simm.s32 $0x9;
	_ =	strace $0x80000048  }
0xb5: {  	_ =	swait.ge [sflag:s29], $0x1  }
0xb6: {  	[sflag:s29] =	ssyncadd.s32 $0xFFFFFFFF  }
0xb7: {  	_ =	strace $0x90000048  }
0xb8: {  	_ =	sfence  }
0xb9: {  	s30 =	sld [smem:$0x0];
	_ =	sdelay $0x2  }
0xba: {  	s31 =	sshll.u32 s1, $0xD;
	s1 =	sshrl.u32 s1, $0x2  }
0xbb: {  	s3 =	sand.u32 $0x4000, s31;
	s1 =	sadd.s32 s1, s30  }
0xbc: {  	s0 =	sor.u32 s3, s0;
	s1 =	sshll.u32 s1, $0x11  }
0xbd: {  	s0 =	sor.u32 s1, s0  }
0xbe: {  	s0 =	sadd.s32 $0x8F2B, s0  }
0xbf: {  	[sflag:s0] =	ssyncadd.remote.s32 $0x1  }
0xc0: {  	_ =	sfence.sel $0xFFFF  }
0xc1: {  	[dreg:$0x0] =	wrdreg $0xFFFFFFFF;
	(pc) =	sbr.abs _section_cstart, $3  }
0xc2: {  	[dreg:$0x1] =	wrdreg $0xFFFFFFFF  }
0xc3: {  	_ =	task.clear_ibuf [dreg:s8], $0x2FFFF;
	_ =	strace $0x9FFFFFFF  }
0xc4: {  	(tm) =	ssettm $0x7FFFFFFF  }
0xc5: {  	_ =	shalt  }
tec
execute0_lowered:
.L_overlay_start_1:
0x0: {  	(tag) =	ssettag $0x1  }
0x1: {  	s1 =	rddreg [dreg:$0x0]  }
0x2: {  	s0 =	rddreg [dreg:$0x1];
	s2 =	srdreg.scid  }
0x3: {  	s11 =	stileid.u32;
	s4 =	rddreg [dreg:$0x2];
	s12 =	simm.s32 $0xB  }
0x4: {  	s13 =	simm.s32 $0x50;
	s14 =	simm.s32 $0x2780;
	s15 =	simm.s32 $0x4F80  }
0x5: {  	s17 =	simm.s32 $0x7780;
	s19 =	simm.s32 $0x9F80;
	s21 =	simm.s32 $0xC780  }
0x6: {  	s22 =	simm.s32 $0x1;
	s23 =	simm.s32 $0x2;
	s28 =	simm.s32 $0x6  }
0x7: {  	s29 =	simm.s32 $0x7;
	s30 =	simm.s32 $0x8;
	s31 =	simm.s32 $0x9  }
0x8: {  	s2 =	sand.u32 $0x1, s2;
	s3 =	sshll.u32 s11, $0x1;
	s25 =	smul.u32 $0x4E200, s11  }
0x9: {  	s5 =	sor.u32 s2, s3;
	s6 =	ssub.s32 $0x2, s2;
	s2 =	smul.u32 $0x27100, s2  }
0xa: {  	s9 =	sadd.s32 $0x1800, s4;
	s3 =	simm.s32 $0x0;
	s7 =	smul.u32 $0x2710, s5  }
0xb: {  	[smem:$0x7FF] =	sst s3;
	s8 =	sshrl.u32 s6, $0x1;
	s5 =	smul.u32 $0x138800, s5  }
0xc: {  	_ =	strace $0x80000047;
	s10 =	ssub.s32 s6, s8;
	s24 =	sshrl.u32 s7, $0x3  }
0xd: {  	s5 =	sshrl.u32 s5, $0x3;
	s10 =	smax.u32 s10, $0x1;
	s0 =	sadd.s32 s0, s24  }
0xe: {  	s26 =	sadd.s32 s9, s5;
	s9 =	sadd.s32 s25, s9;
	s24 =	simm.s32 $0x3  }
0xf: {  	s25 =	simm.s32 $0x4;
	[dreg:$0x4] =	wrdreg s0;
	s5 =	sadd.s32 $0x25800, s26  }
0x10: {  	s6 =	sadd.s32 $0x25D00, s26;
	s7 =	sadd.s32 $0x26200, s26;
	s8 =	sadd.s32 $0x26700, s26  }
0x11: {  	s2 =	sadd.s32 s2, s9;
	s9 =	sadd.s32 $0x26C00, s26;
	s26 =	simm.s32 $0x5  }
0x12: {  	s0 =	simm.s32 $0x0;
	s11 =	sadd.s32 $0x1400, s2;
	s2 =	simm.s32 $0xA  }
.LBB2_1:
0x13: {  	s4 =	rddreg [dreg:$0x4]  }
0x14: {  	[tilespmem:s3], [sflag:$0xB] =	stream.linear.gather [hbm4b:s4+s3], $0x2710, $0x38;
	[tilespmem:$0xEF80] =	vst v63  }
0x15: {  	_ =	swait.ge [sflag:s12], $0x2710  }
0x16: {  	[sflag:s12] =	ssyncset.done $0x0  }
0x17: {  	[sflag:s12] =	ssyncadd.s32 $0xFFFFD8F0  }
0x18: {  	[tilespmem:s14], [sflag:$0x1] =	stream.indirect.gather [hbm4b:s1+s13], $0x80, s3, s13, $0xb8;
	[tilespmem:$0xEF80] =	vst v63  }
0x19: {  	_ = 	snop  }
0x1a: {  	[tilespmem:s15], [sflag:$0x2] =	stream.indirect.gather [hbm4b:s1+s13], $0x80, s13, s13, $0xb8;
	[tilespmem:$0xEF80] =	vst v63  }
0x1b: {  	s20 =	simm.s32 $0xA0  }
0x1c: {  	[tilespmem:s17], [sflag:$0x3] =	stream.indirect.gather [hbm4b:s1+s13], $0x80, s20, s13, $0xb8;
	[tilespmem:$0xEF80] =	vst v63  }
0x1d: {  	s16 =	simm.s32 $0xF0  }
0x1e: {  	[tilespmem:s19], [sflag:$0x4] =	stream.indirect.gather [hbm4b:s1+s13], $0x80, s16, s13, $0xb8;
	[tilespmem:$0xEF80] =	vst v63  }
0x1f: {  	s18 =	simm.s32 $0x140  }
0x20: {  	[tilespmem:s21], [sflag:$0x5] =	stream.indirect.gather [hbm4b:s1+s13], $0x80, s18, s13, $0xb8;
	[tilespmem:$0xEF80] =	vst v63  }
0x21: {  	_ =	swait.ge [sflag:s22], $0x2800  }
0x22: {  	[sflag:s22] =	ssyncset.done $0x0  }
0x23: {  	s16 =	sadd.s32 $0xFFFFEC00, s11;
	[sflag:s22] =	ssyncadd.s32 $0xFFFFD800  }
0x24: {  	[hbm4b:s16+s3] =	stream.linear.scatter [tilespmem:s14], [sflag:$0x6], $0x2800, $0x38;
	[tilespmem:$0xEF80] =	vst v63  }
0x25: {  	_ =	swait.ge [sflag:s23], $0x2800  }
0x26: {  	[sflag:s23] =	ssyncset.done $0x0  }
0x27: {  	s20 =	sadd.s32 $0xFFFFF100, s11;
	[sflag:s23] =	ssyncadd.s32 $0xFFFFD800  }
0x28: {  	[hbm4b:s20+s3] =	stream.linear.scatter [tilespmem:s15], [sflag:$0x7], $0x2800, $0x38;
	[tilespmem:$0xEF80] =	vst v63  }
0x29: {  	_ =	swait.ge [sflag:s24], $0x2800  }
0x2a: {  	[sflag:s24] =	ssyncset.done $0x0  }
0x2b: {  	s4 =	sadd.s32 $0xFFFFF600, s11;
	[sflag:s24] =	ssyncadd.s32 $0xFFFFD800  }
0x2c: {  	[hbm4b:s4+s3] =	stream.linear.scatter [tilespmem:s17], [sflag:$0x8], $0x2800, $0x38;
	[tilespmem:$0xEF80] =	vst v63  }
0x2d: {  	_ =	swait.ge [sflag:s25], $0x2800  }
0x2e: {  	[sflag:s25] =	ssyncset.done $0x0  }
0x2f: {  	s18 =	sadd.s32 $0xFFFFFB00, s11;
	[sflag:s25] =	ssyncadd.s32 $0xFFFFD800  }
0x30: {  	[hbm4b:s18+s3] =	stream.linear.scatter [tilespmem:s19], [sflag:$0x9], $0x2800, $0x38;
	[tilespmem:$0xEF80] =	vst v63  }
0x31: {  	_ =	swait.ge [sflag:s26], $0x2800  }
0x32: {  	[sflag:s26] =	ssyncset.done $0x0  }
0x33: {  	[sflag:s26] =	ssyncadd.s32 $0xFFFFD800  }
0x34: {  	[hbm4b:s11+s3] =	stream.linear.scatter [tilespmem:s21], [sflag:$0xA], $0x2800, $0x38;
	[tilespmem:$0xEF80] =	vst v63  }
0x35: {  	_ =	swait.ge [sflag:s28], $0x2800  }
0x36: {  	[sflag:s28] =	ssyncset.done $0x0  }
0x37: {  	s20 =	simm.s32 $0x190;
	[sflag:s28] =	ssyncadd.s32 $0xFFFFD800  }
0x38: {  	[tilespmem:s14], [sflag:$0x1] =	stream.indirect.gather [hbm4b:s1+s13], $0x80, s20, s13, $0xb8;
	[tilespmem:$0xEF80] =	vst v63  }
0x39: {  	_ =	swait.ge [sflag:s29], $0x2800  }
0x3a: {  	[sflag:s29] =	ssyncset.done $0x0  }
0x3b: {  	s4 =	simm.s32 $0x1E0;
	[sflag:s29] =	ssyncadd.s32 $0xFFFFD800  }
0x3c: {  	[tilespmem:s15], [sflag:$0x2] =	stream.indirect.gather [hbm4b:s1+s13], $0x80, s4, s13, $0xb8;
	[tilespmem:$0xEF80] =	vst v63  }
0x3d: {  	_ =	swait.ge [sflag:s30], $0x2800  }
0x3e: {  	[sflag:s30] =	ssyncset.done $0x0  }
0x3f: {  	s18 =	simm.s32 $0x230;
	[sflag:s30] =	ssyncadd.s32 $0xFFFFD800  }
0x40: {  	[tilespmem:s17], [sflag:$0x3] =	stream.indirect.gather [hbm4b:s1+s13], $0x80, s18, s13, $0xb8;
	[tilespmem:$0xEF80] =	vst v63  }
0x41: {  	_ =	swait.ge [sflag:s31], $0x2800  }
0x42: {  	[sflag:s31] =	ssyncset.done $0x0  }
0x43: {  	s20 =	simm.s32 $0x280;
	[sflag:s31] =	ssyncadd.s32 $0xFFFFD800  }
0x44: {  	[tilespmem:s19], [sflag:$0x4] =	stream.indirect.gather [hbm4b:s1+s13], $0x80, s20, s13, $0xb8;
	[tilespmem:$0xEF80] =	vst v63  }
0x45: {  	_ =	swait.ge [sflag:s2], $0x2800  }
0x46: {  	s16 =	simm.s32 $0x640;
	[sflag:s2] =	ssyncset.done $0x0  }
0x47: {  	s18 =	sadd.s32 $0x1900, s11;
	s20 =	simm.s32 $0x2D0;
	[sflag:s2] =	ssyncadd.s32 $0xFFFFD800  }
.LBB2_2:
0x48: {  	[tilespmem:s21], [sflag:$0x5] =	stream.indirect.gather [hbm4b:s1+s13], $0x80, s20, s13, $0xb8;
	[tilespmem:$0xEF80] =	vst v63  }
0x49: {  	s20 =	smov.u32 s16  }
0x4a: {  	p0 =	sne.s32 s16, $0x8FC0;
	s16 =	sadd.s32 $0x640, s16;
	_ =	swait.ge [sflag:s22], $0x2800  }
0x4b: {  	[sflag:s22] =	ssyncset.done $0x0  }
0x4c: {  	s4 =	sadd.s32 $0xFFFFEC00, s18;
	[sflag:s22] =	ssyncadd.s32 $0xFFFFD800  }
0x4d: {  	[hbm4b:s4+s3] =	stream.linear.scatter [tilespmem:s14], [sflag:$0x6], $0x2800, $0x38;
	[tilespmem:$0xEF80] =	vst v63  }
0x4e: {  	_ =	swait.ge [sflag:s23], $0x2800  }
0x4f: {  	[sflag:s23] =	ssyncset.done $0x0  }
0x50: {  	s4 =	sadd.s32 $0xFFFFF100, s18;
	[sflag:s23] =	ssyncadd.s32 $0xFFFFD800  }
0x51: {  	[hbm4b:s4+s3] =	stream.linear.scatter [tilespmem:s15], [sflag:$0x7], $0x2800, $0x38;
	[tilespmem:$0xEF80] =	vst v63  }
0x52: {  	_ =	swait.ge [sflag:s24], $0x2800  }
0x53: {  	[sflag:s24] =	ssyncset.done $0x0  }
0x54: {  	s4 =	sadd.s32 $0xFFFFF600, s18;
	[sflag:s24] =	ssyncadd.s32 $0xFFFFD800  }
0x55: {  	[hbm4b:s4+s3] =	stream.linear.scatter [tilespmem:s17], [sflag:$0x8], $0x2800, $0x38;
	[tilespmem:$0xEF80] =	vst v63  }
0x56: {  	_ =	swait.ge [sflag:s25], $0x2800  }
0x57: {  	[sflag:s25] =	ssyncset.done $0x0  }
0x58: {  	s4 =	sadd.s32 $0xFFFFFB00, s18;
	[sflag:s25] =	ssyncadd.s32 $0xFFFFD800  }
0x59: {  	[hbm4b:s4+s3] =	stream.linear.scatter [tilespmem:s19], [sflag:$0x9], $0x2800, $0x38;
	[tilespmem:$0xEF80] =	vst v63  }
0x5a: {  	_ =	swait.ge [sflag:s26], $0x2800  }
0x5b: {  	[sflag:s26] =	ssyncset.done $0x0  }
0x5c: {  	[sflag:s26] =	ssyncadd.s32 $0xFFFFD800  }
0x5d: {  	[hbm4b:s18+s3] =	stream.linear.scatter [tilespmem:s21], [sflag:$0xA], $0x2800, $0x38;
	[tilespmem:$0xEF80] =	vst v63  }
0x5e: {  	_ =	swait.ge [sflag:s28], $0x2800  }
0x5f: {  	s4 =	sshra.s32 s20, $0x2;
	[sflag:s28] =	ssyncset.done $0x0  }
0x60: {  	s20 =	sadd.s32 $0x190, s4;
	[sflag:s28] =	ssyncadd.s32 $0xFFFFD800  }
0x61: {  	[tilespmem:s14], [sflag:$0x1] =	stream.indirect.gather [hbm4b:s1+s13], $0x80, s20, s13, $0xb8;
	[tilespmem:$0xEF80] =	vst v63  }
0x62: {  	_ =	swait.ge [sflag:s29], $0x2800  }
0x63: {  	[sflag:s29] =	ssyncset.done $0x0  }
0x64: {  	s20 =	sadd.s32 $0x1E0, s4;
	[sflag:s29] =	ssyncadd.s32 $0xFFFFD800  }
0x65: {  	[tilespmem:s15], [sflag:$0x2] =	stream.indirect.gather [hbm4b:s1+s13], $0x80, s20, s13, $0xb8;
	[tilespmem:$0xEF80] =	vst v63  }
0x66: {  	_ =	swait.ge [sflag:s30], $0x2800  }
0x67: {  	[sflag:s30] =	ssyncset.done $0x0  }
0x68: {  	s20 =	sadd.s32 $0x230, s4;
	[sflag:s30] =	ssyncadd.s32 $0xFFFFD800  }
0x69: {  	[tilespmem:s17], [sflag:$0x3] =	stream.indirect.gather [hbm4b:s1+s13], $0x80, s20, s13, $0xb8;
	[tilespmem:$0xEF80] =	vst v63  }
0x6a: {  	_ =	swait.ge [sflag:s31], $0x2800  }
0x6b: {  	[sflag:s31] =	ssyncset.done $0x0  }
.Ltmp0:
0x6c: {  	s20 =	sadd.s32 $0x280, s4;
	[sflag:s31] =	ssyncadd.s32 $0xFFFFD800;
	(pc) =	sbr.rel @p0 .LBB2_2-.Ltmp0, $4  }
0x6d: {  	[tilespmem:s19], [sflag:$0x4] =	stream.indirect.gather [hbm4b:s1+s13], $0x80, s20, s13, $0xb8;
	[tilespmem:$0xEF80] =	vst v63  }
0x6e: {  	_ =	swait.ge [sflag:s2], $0x2800  }
0x6f: {  	[sflag:s2] =	ssyncset.done $0x0  }
0x70: {  	s18 =	sadd.s32 $0x1900, s18;
	s20 =	sadd.s32 $0x2D0, s4;
	[sflag:s2] =	ssyncadd.s32 $0xFFFFD800  }
0x71: {  	[tilespmem:s21], [sflag:$0x5] =	stream.indirect.gather [hbm4b:s1+s13], $0x80, s20, s13, $0xb8;
	[tilespmem:$0xEF80] =	vst v63  }
0x72: {  	_ =	swait.ge [sflag:s22], $0x2800  }
0x73: {  	[sflag:s22] =	ssyncset.done $0x0  }
0x74: {  	[sflag:s22] =	ssyncadd.s32 $0xFFFFD800  }
0x75: {  	[hbm4b:s5+s3] =	stream.linear.scatter [tilespmem:s14], [sflag:$0x6], $0x2800, $0x38;
	[tilespmem:$0xEF80] =	vst v63  }
0x76: {  	_ =	swait.ge [sflag:s23], $0x2800  }
0x77: {  	[sflag:s23] =	ssyncset.done $0x0  }
0x78: {  	[sflag:s23] =	ssyncadd.s32 $0xFFFFD800  }
0x79: {  	[hbm4b:s6+s3] =	stream.linear.scatter [tilespmem:s15], [sflag:$0x7], $0x2800, $0x38;
	[tilespmem:$0xEF80] =	vst v63  }
0x7a: {  	_ =	swait.ge [sflag:s24], $0x2800  }
0x7b: {  	[sflag:s24] =	ssyncset.done $0x0  }
0x7c: {  	[sflag:s24] =	ssyncadd.s32 $0xFFFFD800  }
0x7d: {  	[hbm4b:s7+s3] =	stream.linear.scatter [tilespmem:s17], [sflag:$0x8], $0x2800, $0x38;
	[tilespmem:$0xEF80] =	vst v63  }
0x7e: {  	_ =	swait.ge [sflag:s25], $0x2800  }
0x7f: {  	[sflag:s25] =	ssyncset.done $0x0  }
0x80: {  	[sflag:s25] =	ssyncadd.s32 $0xFFFFD800  }
0x81: {  	[hbm4b:s8+s3] =	stream.linear.scatter [tilespmem:s19], [sflag:$0x9], $0x2800, $0x38;
	[tilespmem:$0xEF80] =	vst v63  }
0x82: {  	_ =	swait.ge [sflag:s26], $0x2800  }
0x83: {  	[sflag:s26] =	ssyncset.done $0x0  }
0x84: {  	[sflag:s26] =	ssyncadd.s32 $0xFFFFD800  }
0x85: {  	[hbm4b:s9+s3] =	stream.linear.scatter [tilespmem:s21], [sflag:$0xA], $0x2800, $0x38;
	[tilespmem:$0xEF80] =	vst v63  }
0x86: {  	_ =	swait.ge [sflag:s28], $0x2800  }
0x87: {  	[sflag:s28] =	ssyncset.done $0x0  }
0x88: {  	[sflag:s28] =	ssyncadd.s32 $0xFFFFD800  }
0x89: {  	_ =	swait.ge [sflag:s29], $0x2800  }
0x8a: {  	[sflag:s29] =	ssyncset.done $0x0  }
0x8b: {  	[sflag:s29] =	ssyncadd.s32 $0xFFFFD800  }
0x8c: {  	_ =	swait.ge [sflag:s30], $0x2800  }
0x8d: {  	[sflag:s30] =	ssyncset.done $0x0  }
0x8e: {  	s0 =	sadd.s32 $0x1, s0;
	[sflag:s30] =	ssyncadd.s32 $0xFFFFD800  }
0x8f: {  	p0 =	sne.s32 s0, s10;
	_ =	swait.ge [sflag:s31], $0x2800  }
.Ltmp1:
0x90: {  	[sflag:s31] =	ssyncset.done $0x0;
	(pc) =	sbr.rel @p0 .LBB2_1-.Ltmp1, $4  }
0x91: {  	[sflag:s31] =	ssyncadd.s32 $0xFFFFD800  }
0x92: {  	_ =	swait.ge [sflag:s2], $0x2800  }
0x93: {  	[sflag:s2] =	ssyncset.done $0x0  }
0x94: {  	[sflag:s2] =	ssyncadd.s32 $0xFFFFD800  }
0x95: {  	_ =	sfence.sel $0x180000  }
0x96: {  	[bflag:$0x0] =	sbarrier.arrive $0xFFFF  }
0x97: {  	_ =	strace $0x90000047  }
0x98: {  	s0 =	stileid.u32;
	[bflag:$0x2] =	sbarrier.arrive $0xFFFF  }
0x99: {  	p0 =	sne.s32 s0, $0x0;
	s0 =	rddreg [dreg:$0x3]  }
0x9a: {  	s0 =	sadd.s32 @!p0 $0x100000, s0  }
0x9b: {  	[sflag:s0] =	ssyncadd.tile.s32 @!p0 $0x1;
	_ =	shalt  }
.Lfunc_end2:
_tile_overlayer_lowered:
.L_overlay_start_2:
0x9c: {  	(tag) =	ssettag $0x2  }
0x9d: {  	s0 =	rddreg [dreg:$0x0];
	s2 =	stileid.u32  }
0x9e: {  	s1 =	rddreg [dreg:$0x1];
	p0 =	sne.s32 s2, $0x0  }
0x9f: {  	s3 =	rddreg [dreg:$0x2];
	[bflag:$0x3] =	sbarrier.arrive $0xFFFF;
	s2 =	simm.s32 @!p0 $0x1C0B  }
0xa0: {  	[timem:s3], [sflag:s2] =	dma.local @!p0 [hbm:s0], s1  }
0xa1: {  	s0 =	simm.s32 @!p0 $0xB  }
0xa2: {  	_ =	swait.ge @!p0 [sflag:s0], s1  }
0xa3: {  	s1 =	ssub.s32 @!p0 $0x0, s1;
	[sflag:s0] =	ssyncset.done @!p0 $0x0  }
0xa4: {  	[sflag:s0] =	ssyncadd.s32 @!p0 s1  }
0xa5: {  	[bflag:$0x3] =	sbarrier.arrive $0xFFFF  }
0xa6: {  	_ =	shalt  }

</sc_bundles>
